<compile_context>
chip_gen: v7x
topology: tpu7x:2x2x1
jax: 0.10.2.dev20260603
libtpu: 0.0.44.dev20260713+nightly
codegen_flags: <defaults>
</compile_context>

<pallas_src>
import functools

import jax
import jax.numpy as jnp
from jax import lax
from jax.experimental import pallas as pl
from jax.experimental.pallas import tpu as pltpu
from jax.experimental.pallas import tpu_sc as plsc

NUM_FIELDS = 26
VOCAB = 100000
EMB_DIM = 16
BATCH = 16384

NC = 2
NS = 16
NW = NC * NS
ROWS_PER_W = BATCH // NW
P_ROWS = 128
N_PASS = ROWS_PER_W // P_ROWS

NF_A = 11
NF_B = NUM_FIELDS - NF_A


def _build_sc_gather(nf):
    mesh = plsc.VectorSubcoreMesh(core_axis_name="c", subcore_axis_name="s")

    @functools.partial(
        pl.kernel,
        mesh=mesh,
        compiler_params=pltpu.CompilerParams(use_tc_tiling_on_sc=False,
                                             needs_layout_passes=False),
        out_type=jax.ShapeDtypeStruct((nf * EMB_DIM, BATCH), jnp.float32),
        scratch_types=[
            pltpu.VMEM((nf, P_ROWS), jnp.int32),
            pltpu.VMEM((2, EMB_DIM, P_ROWS), jnp.float32),
            pltpu.SemaphoreType.DMA,
            pltpu.SemaphoreType.DMA,
        ],
    )
    def k(xt_hbm, tabt_hbm, out_hbm, idx_v, blk_v, gsem, wsem):
        wid = lax.axis_index("s") * NC + lax.axis_index("c")

        def one_pass(p, carry):
            b0 = wid * ROWS_PER_W + p * P_ROWS
            pltpu.sync_copy(xt_hbm.at[:, pl.ds(b0, P_ROWS)], idx_v)

            def one_field(f, c2):
                slot = lax.rem(f, 2)
                u = p * nf + f

                @pl.when(u >= 2)
                def _():
                    pltpu.make_async_copy(
                        blk_v.at[slot],
                        out_hbm.at[pl.ds(0, EMB_DIM), pl.ds(0, P_ROWS)],
                        wsem).wait()

                gathers = []
                for c in range(EMB_DIM):
                    gathers.append(pltpu.async_copy(
                        tabt_hbm.at[f, c].at[idx_v.at[f]],
                        blk_v.at[slot, c],
                        gsem))
                for g in gathers:
                    g.wait()

                pltpu.async_copy(
                    blk_v.at[slot],
                    out_hbm.at[pl.ds(f * EMB_DIM, EMB_DIM),
                               pl.ds(b0, P_ROWS)],
                    wsem)
                return c2

            lax.fori_loop(0, nf, one_field, 0)
            return carry

        lax.fori_loop(0, N_PASS, one_pass, 0)

        for slot in range(2):
            pltpu.make_async_copy(
                blk_v.at[slot],
                out_hbm.at[pl.ds(0, EMB_DIM), pl.ds(0, P_ROWS)],
                wsem).wait()

    return k


def kernel(x, tables):
    xt = x.T
    tabt = jnp.swapaxes(tables, 1, 2)
    tabt_a = tabt[:NF_A]
    tabt_b = tabt[NF_A:]
    out_a = _build_sc_gather(NF_A)(xt[:NF_A], tabt_a)
    out_b = _build_sc_gather(NF_B)(xt[NF_A:], tabt_b)
    return jnp.concatenate([out_a.T, out_b.T], axis=1)

# --- scband reference (transcript-rebuilt; emitter-appended) ---
"""Pipeline reference for scband-embedding-module-15427522527502 (READ-ONLY COPY).

The authoritative reference and input builder live on the scoring server;
editing this copy changes nothing except your own understanding.
"""

import jax, jax.numpy as jnp
import numpy as np

NUM_FIELDS = 26
VOCAB = 100000
EMB_DIM = 16
BATCH = 16384
DATATYPES = [{"type": "SparseEncoder", "length": VOCAB, "emb_dim": EMB_DIM, "index": i} for i in range(NUM_FIELDS)]


def setup_inputs(seed: int = 0) -> dict:
    key = jax.random.key(seed)
    kx, kw = jax.random.split(key)
    # forward input: one int column per sparse field
    x = jax.random.randint(kx, (BATCH, NUM_FIELDS), 0, VOCAB, dtype=jnp.int32)
    # learned parameters: one embedding table per sparse field (stacked)
    tables = jax.random.normal(kw, (NUM_FIELDS, VOCAB, EMB_DIM), dtype=jnp.float32) * 0.01
    return {"x": x, "tables": tables}


def reference(x, tables):
    # Faithful translation of EmbeddingModule.forward with use_se_net=False and
    # all-SparseEncoder datatypes: per-field embedding lookup, then concat on dim 1.
    emb_output = []
    emb_index = 0
    for index in range(len(DATATYPES)):
        datatype = DATATYPES[index]
        if datatype["type"] in ("SparseEncoder", "BucketSparseEncoder"):
            idx = x[:, datatype["index"]].astype(jnp.int32)
            vec = jnp.take(tables[emb_index], idx, axis=0)
            emb_output.append(vec)
            emb_index += 1
    output = jnp.concatenate(emb_output, axis=1)
    return output.astype(jnp.float32)

if __name__ == "__main__":
    import jax
    _d = setup_inputs()
    print(jax.jit(kernel)(*tuple(_d.values())))

</pallas_src>

<mosaic_0001>
#map = affine_map<(d0, d1) -> (0, 0)>
#map1 = affine_map<(d0, d1) -> (0, 0, 0)>
module attributes {stable_mosaic.version = 14 : i64} {
  func.func @k(%arg0: i32, %arg1: i32, %arg2: memref<15x16384xi32, #tpu.memory_space<hbm>>, %arg3: memref<15x16x100000xf32, #tpu.memory_space<hbm>>, %arg4: memref<240x16384xf32, #tpu.memory_space<hbm>>, %arg5: memref<15x128xi32, #tpu.memory_space<vmem>>, %arg6: memref<2x16x128xf32, #tpu.memory_space<vmem>>, %arg7: memref<!tpu.dma_semaphore, #tpu.memory_space<semaphore_mem>>, %arg8: memref<!tpu.dma_semaphore, #tpu.memory_space<semaphore_mem>>) attributes {dimension_semantics = [#tpu.dimension_semantics<core_parallel>, #tpu.dimension_semantics<subcore_parallel>], iteration_bounds = array<i64: 2, 16>, scalar_prefetch = 0 : i64, scratch_operands = 4 : i64, tpu.core_type = #tpu.core_type<sc_vector_subcore>, window_params = [{transform_indices = #map}, {transform_indices = #map1}, {transform_indices = #map}]} {
    %mul3A = arith.constant 2 : i32
    %mul3A_0 = arith.muli %arg1, %mul3A : i32
    %add3A = arith.addi %mul3A_0, %arg0 : i32
    %scan3A = arith.constant 0 : i32
    %scan3A_1 = arith.constant 0 : i32
    %scan3A_2 = arith.constant 4 : i32
    %scan3A_3 = arith.addi %scan3A_1, %scan3A_2 : i32
    %scan3A_4 = arith.constant 1 : i32
    scf.for %scan3A_35 = %scan3A_1 to %scan3A_3 step %scan3A_4  : i32 {
      %mul3A_36 = arith.constant 512 : i32
      %mul3A_37 = arith.muli %add3A, %mul3A_36 : i32
      %mul3A_38 = arith.constant 128 : i32
      %mul3A_39 = arith.muli %scan3A_35, %mul3A_38 : i32
      %add3A_40 = arith.addi %mul3A_37, %mul3A_39 : i32
      "tpu.region"() ({
        %run_scoped3A = tpu.sem_alloc : memref<!tpu.dma_semaphore, #tpu.memory_space<semaphore_mem>>
        %dma_start3A = arith.constant 0 : i32
        %dma_start3A_47 = tpu.memref_slice %arg2[%dma_start3A, %add3A_40] : memref<15x16384xi32, #tpu.memory_space<hbm>> -> memref<15x128xi32, #tpu.memory_space<hbm>>
        %dma_start3A_48 = arith.constant 0 : i32
        %dma_start3A_49 = tpu.memref_slice %arg2[%dma_start3A_48, %add3A_40] : memref<15x16384xi32, #tpu.memory_space<hbm>> -> memref<15x128xi32, #tpu.memory_space<hbm>>
        tpu.enqueue_dma source(%dma_start3A_49 : memref<15x128xi32, #tpu.memory_space<hbm>>) target(%arg5 : memref<15x128xi32, #tpu.memory_space<vmem>>) target_semaphore(%run_scoped3A : memref<!tpu.dma_semaphore, #tpu.memory_space<semaphore_mem>>)
        %dma_wait3A_50 = arith.constant 0 : i32
        %dma_wait3A_51 = tpu.memref_slice %arg2[%dma_wait3A_50, %add3A_40] : memref<15x16384xi32, #tpu.memory_space<hbm>> -> memref<15x128xi32, #tpu.memory_space<hbm>>
        %dma_wait3A_52 = arith.constant 0 : i32
        %dma_wait3A_53 = tpu.memref_slice %arg2[%dma_wait3A_52, %add3A_40] : memref<15x16384xi32, #tpu.memory_space<hbm>> -> memref<15x128xi32, #tpu.memory_space<hbm>>
        tpu.wait_dma2 semaphore(%run_scoped3A : memref<!tpu.dma_semaphore, #tpu.memory_space<semaphore_mem>>) src(%dma_wait3A_53 : memref<15x128xi32, #tpu.memory_space<hbm>>) dst(%arg5 : memref<15x128xi32, #tpu.memory_space<vmem>>)
        tpu.yield
      }) : () -> ()
      %scan3A_41 = arith.constant 0 : i32
      %scan3A_42 = arith.constant 0 : i32
      %scan3A_43 = arith.constant 15 : i32
      %scan3A_44 = arith.addi %scan3A_42, %scan3A_43 : i32
      %scan3A_45 = arith.constant 1 : i32
      scf.for %scan3A_47 = %scan3A_42 to %scan3A_44 step %scan3A_45  : i32 {
        %rem3A = arith.constant 2 : i32
        %rem3A_48 = arith.remsi %scan3A_47, %rem3A : i32
        %mul3A_49 = arith.constant 15 : i32
        %mul3A_50 = arith.muli %scan3A_35, %mul3A_49 : i32
        %add3A_51 = arith.addi %mul3A_50, %scan3A_47 : i32
        %ge3A = arith.constant 2 : i32
        %ge3A_52 = arith.cmpi sge, %add3A_51, %ge3A : i32
        %convert_element_type3A = arith.extui %ge3A_52 : i1 to i32
        %cond3A = arith.constant 0 : i32
        %cond3A_53 = arith.cmpi ne, %convert_element_type3A, %cond3A : i32
        scf.if %cond3A_53 {
          %dma_wait3A_481 = arith.constant 0 : i32
          %dma_wait3A_482 = arith.constant 0 : i32
          %dma_wait3A_483 = tpu.memref_slice %arg6[%rem3A_48, %dma_wait3A_481, %dma_wait3A_482] : memref<2x16x128xf32, #tpu.memory_space<vmem>> -> memref<1x16x128xf32, #tpu.memory_space<vmem>>
          %dma_wait3A_484 = tpu.memref_squeeze %dma_wait3A_483 : memref<1x16x128xf32, #tpu.memory_space<vmem>> -> memref<16x128xf32, #tpu.memory_space<vmem>>
          %dma_wait3A_485 = arith.constant 0 : i32
          %dma_wait3A_486 = arith.constant 0 : i32
          %dma_wait3A_487 = tpu.memref_slice %arg4[%dma_wait3A_485, %dma_wait3A_486] : memref<240x16384xf32, #tpu.memory_space<hbm>> -> memref<16x128xf32, #tpu.memory_space<hbm>>
          %dma_wait3A_488 = arith.constant 0 : i32
          %dma_wait3A_489 = arith.constant 0 : i32
          %dma_wait3A_490 = tpu.memref_slice %arg4[%dma_wait3A_488, %dma_wait3A_489] : memref<240x16384xf32, #tpu.memory_space<hbm>> -> memref<16x128xf32, #tpu.memory_space<hbm>>
          %dma_wait3A_491 = arith.constant 0 : i32
          %dma_wait3A_492 = arith.constant 0 : i32
          %dma_wait3A_493 = tpu.memref_slice %arg6[%rem3A_48, %dma_wait3A_491, %dma_wait3A_492] : memref<2x16x128xf32, #tpu.memory_space<vmem>> -> memref<1x16x128xf32, #tpu.memory_space<vmem>>
          %dma_wait3A_494 = tpu.memref_squeeze %dma_wait3A_493 : memref<1x16x128xf32, #tpu.memory_space<vmem>> -> memref<16x128xf32, #tpu.memory_space<vmem>>
          tpu.wait_dma2 semaphore(%arg8 : memref<!tpu.dma_semaphore, #tpu.memory_space<semaphore_mem>>) src(%dma_wait3A_494 : memref<16x128xf32, #tpu.memory_space<vmem>>) dst(%dma_wait3A_490 : memref<16x128xf32, #tpu.memory_space<hbm>>)
        } else {
        }
        %dma_start3A = arith.constant 0 : i32
        %dma_start3A_54 = arith.constant 0 : i32
        %dma_start3A_55 = arith.constant 0 : i32
        %dma_start3A_56 = tpu.memref_slice %arg6[%rem3A_48, %dma_start3A_54, %dma_start3A_55] : memref<2x16x128xf32, #tpu.memory_space<vmem>> -> memref<1x1x128xf32, #tpu.memory_space<vmem>>
        %dma_start3A_57 = tpu.memref_squeeze %dma_start3A_56 : memref<1x1x128xf32, #tpu.memory_space<vmem>> -> memref<128xf32, #tpu.memory_space<vmem>>
        %dma_start3A_58 = arith.constant 0 : i32
        %dma_start3A_59 = tpu.memref_slice %arg5[%scan3A_47, %dma_start3A_58] : memref<15x128xi32, #tpu.memory_space<vmem>> -> memref<1x128xi32, #tpu.memory_space<vmem>>
        %dma_start3A_60 = tpu.memref_squeeze %dma_start3A_59 : memref<1x128xi32, #tpu.memory_space<vmem>> -> memref<128xi32, #tpu.memory_space<vmem>>
        %dma_start3A_61 = arith.constant 0 : i32
        %dma_start3A_62 = tpu.memref_slice %arg3[%scan3A_47, %dma_start3A, %dma_start3A_61] : memref<15x16x100000xf32, #tpu.memory_space<hbm>> -> memref<1x1x100000xf32, #tpu.memory_space<hbm>>
        %dma_start3A_63 = tpu.memref_squeeze %dma_start3A_62 : memref<1x1x100000xf32, #tpu.memory_space<hbm>> -> memref<100000xf32, #tpu.memory_space<hbm>>
        %dma_start3A_64 = arith.constant 0 : i32
        %dma_start3A_65 = tpu.memref_slice %dma_start3A_63[%dma_start3A_64] : memref<100000xf32, #tpu.memory_space<hbm>> -> memref<100000xf32, #tpu.memory_space<hbm>>
        tpu.enqueue_indirect_dma source(%dma_start3A_65 : memref<100000xf32, #tpu.memory_space<hbm>>) target(%dma_start3A_57 : memref<128xf32, #tpu.memory_space<vmem>>) offsets(%dma_start3A_60 : memref<128xi32, #tpu.memory_space<vmem>>) semaphore(%arg7 : memref<!tpu.dma_semaphore, #tpu.memory_space<semaphore_mem>>)
        %dma_start3A_66 = arith.constant 1 : i32
        %dma_start3A_67 = arith.constant 1 : i32
        %dma_start3A_68 = arith.constant 0 : i32
        %dma_start3A_69 = tpu.memref_slice %arg6[%rem3A_48, %dma_start3A_67, %dma_start3A_68] : memref<2x16x128xf32, #tpu.memory_space<vmem>> -> memref<1x1x128xf32, #tpu.memory_space<vmem>>
        %dma_start3A_70 = tpu.memref_squeeze %dma_start3A_69 : memref<1x1x128xf32, #tpu.memory_space<vmem>> -> memref<128xf32, #tpu.memory_space<vmem>>
        %dma_start3A_71 = arith.constant 0 : i32
        %dma_start3A_72 = tpu.memref_slice %arg5[%scan3A_47, %dma_start3A_71] : memref<15x128xi32, #tpu.memory_space<vmem>> -> memref<1x128xi32, #tpu.memory_space<vmem>>
        %dma_start3A_73 = tpu.memref_squeeze %dma_start3A_72 : memref<1x128xi32, #tpu.memory_space<vmem>> -> memref<128xi32, #tpu.memory_space<vmem>>
        %dma_start3A_74 = arith.constant 0 : i32
        %dma_start3A_75 = tpu.memref_slice %arg3[%scan3A_47, %dma_start3A_66, %dma_start3A_74] : memref<15x16x100000xf32, #tpu.memory_space<hbm>> -> memref<1x1x100000xf32, #tpu.memory_space<hbm>>
        %dma_start3A_76 = tpu.memref_squeeze %dma_start3A_75 : memref<1x1x100000xf32, #tpu.memory_space<hbm>> -> memref<100000xf32, #tpu.memory_space<hbm>>
        %dma_start3A_77 = arith.constant 0 : i32
        %dma_start3A_78 = tpu.memref_slice %dma_start3A_76[%dma_start3A_77] : memref<100000xf32, #tpu.memory_space<hbm>> -> memref<100000xf32, #tpu.memory_space<hbm>>
        tpu.enqueue_indirect_dma source(%dma_start3A_78 : memref<100000xf32, #tpu.memory_space<hbm>>) target(%dma_start3A_70 : memref<128xf32, #tpu.memory_space<vmem>>) offsets(%dma_start3A_73 : memref<128xi32, #tpu.memory_space<vmem>>) semaphore(%arg7 : memref<!tpu.dma_semaphore, #tpu.memory_space<semaphore_mem>>)
        %dma_start3A_79 = arith.constant 2 : i32
        %dma_start3A_80 = arith.constant 2 : i32
        %dma_start3A_81 = arith.constant 0 : i32
        %dma_start3A_82 = tpu.memref_slice %arg6[%rem3A_48, %dma_start3A_80, %dma_start3A_81] : memref<2x16x128xf32, #tpu.memory_space<vmem>> -> memref<1x1x128xf32, #tpu.memory_space<vmem>>
        %dma_start3A_83 = tpu.memref_squeeze %dma_start3A_82 : memref<1x1x128xf32, #tpu.memory_space<vmem>> -> memref<128xf32, #tpu.memory_space<vmem>>
        %dma_start3A_84 = arith.constant 0 : i32
        %dma_start3A_85 = tpu.memref_slice %arg5[%scan3A_47, %dma_start3A_84] : memref<15x128xi32, #tpu.memory_space<vmem>> -> memref<1x128xi32, #tpu.memory_space<vmem>>
        %dma_start3A_86 = tpu.memref_squeeze %dma_start3A_85 : memref<1x128xi32, #tpu.memory_space<vmem>> -> memref<128xi32, #tpu.memory_space<vmem>>
        %dma_start3A_87 = arith.constant 0 : i32
        %dma_start3A_88 = tpu.memref_slice %arg3[%scan3A_47, %dma_start3A_79, %dma_start3A_87] : memref<15x16x100000xf32, #tpu.memory_space<hbm>> -> memref<1x1x100000xf32, #tpu.memory_space<hbm>>
        %dma_start3A_89 = tpu.memref_squeeze %dma_start3A_88 : memref<1x1x100000xf32, #tpu.memory_space<hbm>> -> memref<100000xf32, #tpu.memory_space<hbm>>
        %dma_start3A_90 = arith.constant 0 : i32
        %dma_start3A_91 = tpu.memref_slice %dma_start3A_89[%dma_start3A_90] : memref<100000xf32, #tpu.memory_space<hbm>> -> memref<100000xf32, #tpu.memory_space<hbm>>
        tpu.enqueue_indirect_dma source(%dma_start3A_91 : memref<100000xf32, #tpu.memory_space<hbm>>) target(%dma_start3A_83 : memref<128xf32, #tpu.memory_space<vmem>>) offsets(%dma_start3A_86 : memref<128xi32, #tpu.memory_space<vmem>>) semaphore(%arg7 : memref<!tpu.dma_semaphore, #tpu.memory_space<semaphore_mem>>)
        %dma_start3A_92 = arith.constant 3 : i32
        %dma_start3A_93 = arith.constant 3 : i32
        %dma_start3A_94 = arith.constant 0 : i32
        %dma_start3A_95 = tpu.memref_slice %arg6[%rem3A_48, %dma_start3A_93, %dma_start3A_94] : memref<2x16x128xf32, #tpu.memory_space<vmem>> -> memref<1x1x128xf32, #tpu.memory_space<vmem>>
        %dma_start3A_96 = tpu.memref_squeeze %dma_start3A_95 : memref<1x1x128xf32, #tpu.memory_space<vmem>> -> memref<128xf32, #tpu.memory_space<vmem>>
        %dma_start3A_97 = arith.constant 0 : i32
        %dma_start3A_98 = tpu.memref_slice %arg5[%scan3A_47, %dma_start3A_97] : memref<15x128xi32, #tpu.memory_space<vmem>> -> memref<1x128xi32, #tpu.memory_space<vmem>>
        %dma_start3A_99 = tpu.memref_squeeze %dma_start3A_98 : memref<1x128xi32, #tpu.memory_space<vmem>> -> memref<128xi32, #tpu.memory_space<vmem>>
        %dma_start3A_100 = arith.constant 0 : i32
        %dma_start3A_101 = tpu.memref_slice %arg3[%scan3A_47, %dma_start3A_92, %dma_start3A_100] : memref<15x16x100000xf32, #tpu.memory_space<hbm>> -> memref<1x1x100000xf32, #tpu.memory_space<hbm>>
        %dma_start3A_102 = tpu.memref_squeeze %dma_start3A_101 : memref<1x1x100000xf32, #tpu.memory_space<hbm>> -> memref<100000xf32, #tpu.memory_space<hbm>>
        %dma_start3A_103 = arith.constant 0 : i32
        %dma_start3A_104 = tpu.memref_slice %dma_start3A_102[%dma_start3A_103] : memref<100000xf32, #tpu.memory_space<hbm>> -> memref<100000xf32, #tpu.memory_space<hbm>>
        tpu.enqueue_indirect_dma source(%dma_start3A_104 : memref<100000xf32, #tpu.memory_space<hbm>>) target(%dma_start3A_96 : memref<128xf32, #tpu.memory_space<vmem>>) offsets(%dma_start3A_99 : memref<128xi32, #tpu.memory_space<vmem>>) semaphore(%arg7 : memref<!tpu.dma_semaphore, #tpu.memory_space<semaphore_mem>>)
        %dma_start3A_105 = arith.constant 4 : i32
        %dma_start3A_106 = arith.constant 4 : i32
        %dma_start3A_107 = arith.constant 0 : i32
        %dma_start3A_108 = tpu.memref_slice %arg6[%rem3A_48, %dma_start3A_106, %dma_start3A_107] : memref<2x16x128xf32, #tpu.memory_space<vmem>> -> memref<1x1x128xf32, #tpu.memory_space<vmem>>
        %dma_start3A_109 = tpu.memref_squeeze %dma_start3A_108 : memref<1x1x128xf32, #tpu.memory_space<vmem>> -> memref<128xf32, #tpu.memory_space<vmem>>
        %dma_start3A_110 = arith.constant 0 : i32
        %dma_start3A_111 = tpu.memref_slice %arg5[%scan3A_47, %dma_start3A_110] : memref<15x128xi32, #tpu.memory_space<vmem>> -> memref<1x128xi32, #tpu.memory_space<vmem>>
        %dma_start3A_112 = tpu.memref_squeeze %dma_start3A_111 : memref<1x128xi32, #tpu.memory_space<vmem>> -> memref<128xi32, #tpu.memory_space<vmem>>
        %dma_start3A_113 = arith.constant 0 : i32
        %dma_start3A_114 = tpu.memref_slice %arg3[%scan3A_47, %dma_start3A_105, %dma_start3A_113] : memref<15x16x100000xf32, #tpu.memory_space<hbm>> -> memref<1x1x100000xf32, #tpu.memory_space<hbm>>
        %dma_start3A_115 = tpu.memref_squeeze %dma_start3A_114 : memref<1x1x100000xf32, #tpu.memory_space<hbm>> -> memref<100000xf32, #tpu.memory_space<hbm>>
        %dma_start3A_116 = arith.constant 0 : i32
        %dma_start3A_117 = tpu.memref_slice %dma_start3A_115[%dma_start3A_116] : memref<100000xf32, #tpu.memory_space<hbm>> -> memref<100000xf32, #tpu.memory_space<hbm>>
        tpu.enqueue_indirect_dma source(%dma_start3A_117 : memref<100000xf32, #tpu.memory_space<hbm>>) target(%dma_start3A_109 : memref<128xf32, #tpu.memory_space<vmem>>) offsets(%dma_start3A_112 : memref<128xi32, #tpu.memory_space<vmem>>) semaphore(%arg7 : memref<!tpu.dma_semaphore, #tpu.memory_space<semaphore_mem>>)
        %dma_start3A_118 = arith.constant 5 : i32
        %dma_start3A_119 = arith.constant 5 : i32
        %dma_start3A_120 = arith.constant 0 : i32
        %dma_start3A_121 = tpu.memref_slice %arg6[%rem3A_48, %dma_start3A_119, %dma_start3A_120] : memref<2x16x128xf32, #tpu.memory_space<vmem>> -> memref<1x1x128xf32, #tpu.memory_space<vmem>>
        %dma_start3A_122 = tpu.memref_squeeze %dma_start3A_121 : memref<1x1x128xf32, #tpu.memory_space<vmem>> -> memref<128xf32, #tpu.memory_space<vmem>>
        %dma_start3A_123 = arith.constant 0 : i32
        %dma_start3A_124 = tpu.memref_slice %arg5[%scan3A_47, %dma_start3A_123] : memref<15x128xi32, #tpu.memory_space<vmem>> -> memref<1x128xi32, #tpu.memory_space<vmem>>
        %dma_start3A_125 = tpu.memref_squeeze %dma_start3A_124 : memref<1x128xi32, #tpu.memory_space<vmem>> -> memref<128xi32, #tpu.memory_space<vmem>>
        %dma_start3A_126 = arith.constant 0 : i32
        %dma_start3A_127 = tpu.memref_slice %arg3[%scan3A_47, %dma_start3A_118, %dma_start3A_126] : memref<15x16x100000xf32, #tpu.memory_space<hbm>> -> memref<1x1x100000xf32, #tpu.memory_space<hbm>>
        %dma_start3A_128 = tpu.memref_squeeze %dma_start3A_127 : memref<1x1x100000xf32, #tpu.memory_space<hbm>> -> memref<100000xf32, #tpu.memory_space<hbm>>
        %dma_start3A_129 = arith.constant 0 : i32
        %dma_start3A_130 = tpu.memref_slice %dma_start3A_128[%dma_start3A_129] : memref<100000xf32, #tpu.memory_space<hbm>> -> memref<100000xf32, #tpu.memory_space<hbm>>
        tpu.enqueue_indirect_dma source(%dma_start3A_130 : memref<100000xf32, #tpu.memory_space<hbm>>) target(%dma_start3A_122 : memref<128xf32, #tpu.memory_space<vmem>>) offsets(%dma_start3A_125 : memref<128xi32, #tpu.memory_space<vmem>>) semaphore(%arg7 : memref<!tpu.dma_semaphore, #tpu.memory_space<semaphore_mem>>)
        %dma_start3A_131 = arith.constant 6 : i32
        %dma_start3A_132 = arith.constant 6 : i32
        %dma_start3A_133 = arith.constant 0 : i32
        %dma_start3A_134 = tpu.memref_slice %arg6[%rem3A_48, %dma_start3A_132, %dma_start3A_133] : memref<2x16x128xf32, #tpu.memory_space<vmem>> -> memref<1x1x128xf32, #tpu.memory_space<vmem>>
        %dma_start3A_135 = tpu.memref_squeeze %dma_start3A_134 : memref<1x1x128xf32, #tpu.memory_space<vmem>> -> memref<128xf32, #tpu.memory_space<vmem>>
        %dma_start3A_136 = arith.constant 0 : i32
        %dma_start3A_137 = tpu.memref_slice %arg5[%scan3A_47, %dma_start3A_136] : memref<15x128xi32, #tpu.memory_space<vmem>> -> memref<1x128xi32, #tpu.memory_space<vmem>>
        %dma_start3A_138 = tpu.memref_squeeze %dma_start3A_137 : memref<1x128xi32, #tpu.memory_space<vmem>> -> memref<128xi32, #tpu.memory_space<vmem>>
        %dma_start3A_139 = arith.constant 0 : i32
        %dma_start3A_140 = tpu.memref_slice %arg3[%scan3A_47, %dma_start3A_131, %dma_start3A_139] : memref<15x16x100000xf32, #tpu.memory_space<hbm>> -> memref<1x1x100000xf32, #tpu.memory_space<hbm>>
        %dma_start3A_141 = tpu.memref_squeeze %dma_start3A_140 : memref<1x1x100000xf32, #tpu.memory_space<hbm>> -> memref<100000xf32, #tpu.memory_space<hbm>>
        %dma_start3A_142 = arith.constant 0 : i32
        %dma_start3A_143 = tpu.memref_slice %dma_start3A_141[%dma_start3A_142] : memref<100000xf32, #tpu.memory_space<hbm>> -> memref<100000xf32, #tpu.memory_space<hbm>>
        tpu.enqueue_indirect_dma source(%dma_start3A_143 : memref<100000xf32, #tpu.memory_space<hbm>>) target(%dma_start3A_135 : memref<128xf32, #tpu.memory_space<vmem>>) offsets(%dma_start3A_138 : memref<128xi32, #tpu.memory_space<vmem>>) semaphore(%arg7 : memref<!tpu.dma_semaphore, #tpu.memory_space<semaphore_mem>>)
        %dma_start3A_144 = arith.constant 7 : i32
        %dma_start3A_145 = arith.constant 7 : i32
        %dma_start3A_146 = arith.constant 0 : i32
        %dma_start3A_147 = tpu.memref_slice %arg6[%rem3A_48, %dma_start3A_145, %dma_start3A_146] : memref<2x16x128xf32, #tpu.memory_space<vmem>> -> memref<1x1x128xf32, #tpu.memory_space<vmem>>
        %dma_start3A_148 = tpu.memref_squeeze %dma_start3A_147 : memref<1x1x128xf32, #tpu.memory_space<vmem>> -> memref<128xf32, #tpu.memory_space<vmem>>
        %dma_start3A_149 = arith.constant 0 : i32
        %dma_start3A_150 = tpu.memref_slice %arg5[%scan3A_47, %dma_start3A_149] : memref<15x128xi32, #tpu.memory_space<vmem>> -> memref<1x128xi32, #tpu.memory_space<vmem>>
        %dma_start3A_151 = tpu.memref_squeeze %dma_start3A_150 : memref<1x128xi32, #tpu.memory_space<vmem>> -> memref<128xi32, #tpu.memory_space<vmem>>
        %dma_start3A_152 = arith.constant 0 : i32
        %dma_start3A_153 = tpu.memref_slice %arg3[%scan3A_47, %dma_start3A_144, %dma_start3A_152] : memref<15x16x100000xf32, #tpu.memory_space<hbm>> -> memref<1x1x100000xf32, #tpu.memory_space<hbm>>
        %dma_start3A_154 = tpu.memref_squeeze %dma_start3A_153 : memref<1x1x100000xf32, #tpu.memory_space<hbm>> -> memref<100000xf32, #tpu.memory_space<hbm>>
        %dma_start3A_155 = arith.constant 0 : i32
        %dma_start3A_156 = tpu.memref_slice %dma_start3A_154[%dma_start3A_155] : memref<100000xf32, #tpu.memory_space<hbm>> -> memref<100000xf32, #tpu.memory_space<hbm>>
        tpu.enqueue_indirect_dma source(%dma_start3A_156 : memref<100000xf32, #tpu.memory_space<hbm>>) target(%dma_start3A_148 : memref<128xf32, #tpu.memory_space<vmem>>) offsets(%dma_start3A_151 : memref<128xi32, #tpu.memory_space<vmem>>) semaphore(%arg7 : memref<!tpu.dma_semaphore, #tpu.memory_space<semaphore_mem>>)
        %dma_start3A_157 = arith.constant 8 : i32
        %dma_start3A_158 = arith.constant 8 : i32
        %dma_start3A_159 = arith.constant 0 : i32
        %dma_start3A_160 = tpu.memref_slice %arg6[%rem3A_48, %dma_start3A_158, %dma_start3A_159] : memref<2x16x128xf32, #tpu.memory_space<vmem>> -> memref<1x1x128xf32, #tpu.memory_space<vmem>>
        %dma_start3A_161 = tpu.memref_squeeze %dma_start3A_160 : memref<1x1x128xf32, #tpu.memory_space<vmem>> -> memref<128xf32, #tpu.memory_space<vmem>>
        %dma_start3A_162 = arith.constant 0 : i32
        %dma_start3A_163 = tpu.memref_slice %arg5[%scan3A_47, %dma_start3A_162] : memref<15x128xi32, #tpu.memory_space<vmem>> -> memref<1x128xi32, #tpu.memory_space<vmem>>
        %dma_start3A_164 = tpu.memref_squeeze %dma_start3A_163 : memref<1x128xi32, #tpu.memory_space<vmem>> -> memref<128xi32, #tpu.memory_space<vmem>>
        %dma_start3A_165 = arith.constant 0 : i32
        %dma_start3A_166 = tpu.memref_slice %arg3[%scan3A_47, %dma_start3A_157, %dma_start3A_165] : memref<15x16x100000xf32, #tpu.memory_space<hbm>> -> memref<1x1x100000xf32, #tpu.memory_space<hbm>>
        %dma_start3A_167 = tpu.memref_squeeze %dma_start3A_166 : memref<1x1x100000xf32, #tpu.memory_space<hbm>> -> memref<100000xf32, #tpu.memory_space<hbm>>
        %dma_start3A_168 = arith.constant 0 : i32
        %dma_start3A_169 = tpu.memref_slice %dma_start3A_167[%dma_start3A_168] : memref<100000xf32, #tpu.memory_space<hbm>> -> memref<100000xf32, #tpu.memory_space<hbm>>
        tpu.enqueue_indirect_dma source(%dma_start3A_169 : memref<100000xf32, #tpu.memory_space<hbm>>) target(%dma_start3A_161 : memref<128xf32, #tpu.memory_space<vmem>>) offsets(%dma_start3A_164 : memref<128xi32, #tpu.memory_space<vmem>>) semaphore(%arg7 : memref<!tpu.dma_semaphore, #tpu.memory_space<semaphore_mem>>)
        %dma_start3A_170 = arith.constant 9 : i32
        %dma_start3A_171 = arith.constant 9 : i32
        %dma_start3A_172 = arith.constant 0 : i32
        %dma_start3A_173 = tpu.memref_slice %arg6[%rem3A_48, %dma_start3A_171, %dma_start3A_172] : memref<2x16x128xf32, #tpu.memory_space<vmem>> -> memref<1x1x128xf32, #tpu.memory_space<vmem>>
        %dma_start3A_174 = tpu.memref_squeeze %dma_start3A_173 : memref<1x1x128xf32, #tpu.memory_space<vmem>> -> memref<128xf32, #tpu.memory_space<vmem>>
        %dma_start3A_175 = arith.constant 0 : i32
        %dma_start3A_176 = tpu.memref_slice %arg5[%scan3A_47, %dma_start3A_175] : memref<15x128xi32, #tpu.memory_space<vmem>> -> memref<1x128xi32, #tpu.memory_space<vmem>>
        %dma_start3A_177 = tpu.memref_squeeze %dma_start3A_176 : memref<1x128xi32, #tpu.memory_space<vmem>> -> memref<128xi32, #tpu.memory_space<vmem>>
        %dma_start3A_178 = arith.constant 0 : i32
        %dma_start3A_179 = tpu.memref_slice %arg3[%scan3A_47, %dma_start3A_170, %dma_start3A_178] : memref<15x16x100000xf32, #tpu.memory_space<hbm>> -> memref<1x1x100000xf32, #tpu.memory_space<hbm>>
        %dma_start3A_180 = tpu.memref_squeeze %dma_start3A_179 : memref<1x1x100000xf32, #tpu.memory_space<hbm>> -> memref<100000xf32, #tpu.memory_space<hbm>>
        %dma_start3A_181 = arith.constant 0 : i32
        %dma_start3A_182 = tpu.memref_slice %dma_start3A_180[%dma_start3A_181] : memref<100000xf32, #tpu.memory_space<hbm>> -> memref<100000xf32, #tpu.memory_space<hbm>>
        tpu.enqueue_indirect_dma source(%dma_start3A_182 : memref<100000xf32, #tpu.memory_space<hbm>>) target(%dma_start3A_174 : memref<128xf32, #tpu.memory_space<vmem>>) offsets(%dma_start3A_177 : memref<128xi32, #tpu.memory_space<vmem>>) semaphore(%arg7 : memref<!tpu.dma_semaphore, #tpu.memory_space<semaphore_mem>>)
        %dma_start3A_183 = arith.constant 10 : i32
        %dma_start3A_184 = arith.constant 10 : i32
        %dma_start3A_185 = arith.constant 0 : i32
        %dma_start3A_186 = tpu.memref_slice %arg6[%rem3A_48, %dma_start3A_184, %dma_start3A_185] : memref<2x16x128xf32, #tpu.memory_space<vmem>> -> memref<1x1x128xf32, #tpu.memory_space<vmem>>
        %dma_start3A_187 = tpu.memref_squeeze %dma_start3A_186 : memref<1x1x128xf32, #tpu.memory_space<vmem>> -> memref<128xf32, #tpu.memory_space<vmem>>
        %dma_start3A_188 = arith.constant 0 : i32
        %dma_start3A_189 = tpu.memref_slice %arg5[%scan3A_47, %dma_start3A_188] : memref<15x128xi32, #tpu.memory_space<vmem>> -> memref<1x128xi32, #tpu.memory_space<vmem>>
        %dma_start3A_190 = tpu.memref_squeeze %dma_start3A_189 : memref<1x128xi32, #tpu.memory_space<vmem>> -> memref<128xi32, #tpu.memory_space<vmem>>
        %dma_start3A_191 = arith.constant 0 : i32
        %dma_start3A_192 = tpu.memref_slice %arg3[%scan3A_47, %dma_start3A_183, %dma_start3A_191] : memref<15x16x100000xf32, #tpu.memory_space<hbm>> -> memref<1x1x100000xf32, #tpu.memory_space<hbm>>
        %dma_start3A_193 = tpu.memref_squeeze %dma_start3A_192 : memref<1x1x100000xf32, #tpu.memory_space<hbm>> -> memref<100000xf32, #tpu.memory_space<hbm>>
        %dma_start3A_194 = arith.constant 0 : i32
        %dma_start3A_195 = tpu.memref_slice %dma_start3A_193[%dma_start3A_194] : memref<100000xf32, #tpu.memory_space<hbm>> -> memref<100000xf32, #tpu.memory_space<hbm>>
        tpu.enqueue_indirect_dma source(%dma_start3A_195 : memref<100000xf32, #tpu.memory_space<hbm>>) target(%dma_start3A_187 : memref<128xf32, #tpu.memory_space<vmem>>) offsets(%dma_start3A_190 : memref<128xi32, #tpu.memory_space<vmem>>) semaphore(%arg7 : memref<!tpu.dma_semaphore, #tpu.memory_space<semaphore_mem>>)
        %dma_start3A_196 = arith.constant 11 : i32
        %dma_start3A_197 = arith.constant 11 : i32
        %dma_start3A_198 = arith.constant 0 : i32
        %dma_start3A_199 = tpu.memref_slice %arg6[%rem3A_48, %dma_start3A_197, %dma_start3A_198] : memref<2x16x128xf32, #tpu.memory_space<vmem>> -> memref<1x1x128xf32, #tpu.memory_space<vmem>>
        %dma_start3A_200 = tpu.memref_squeeze %dma_start3A_199 : memref<1x1x128xf32, #tpu.memory_space<vmem>> -> memref<128xf32, #tpu.memory_space<vmem>>
        %dma_start3A_201 = arith.constant 0 : i32
        %dma_start3A_202 = tpu.memref_slice %arg5[%scan3A_47, %dma_start3A_201] : memref<15x128xi32, #tpu.memory_space<vmem>> -> memref<1x128xi32, #tpu.memory_space<vmem>>
        %dma_start3A_203 = tpu.memref_squeeze %dma_start3A_202 : memref<1x128xi32, #tpu.memory_space<vmem>> -> memref<128xi32, #tpu.memory_space<vmem>>
        %dma_start3A_204 = arith.constant 0 : i32
        %dma_start3A_205 = tpu.memref_slice %arg3[%scan3A_47, %dma_start3A_196, %dma_start3A_204] : memref<15x16x100000xf32, #tpu.memory_space<hbm>> -> memref<1x1x100000xf32, #tpu.memory_space<hbm>>
        %dma_start3A_206 = tpu.memref_squeeze %dma_start3A_205 : memref<1x1x100000xf32, #tpu.memory_space<hbm>> -> memref<100000xf32, #tpu.memory_space<hbm>>
        %dma_start3A_207 = arith.constant 0 : i32
        %dma_start3A_208 = tpu.memref_slice %dma_start3A_206[%dma_start3A_207] : memref<100000xf32, #tpu.memory_space<hbm>> -> memref<100000xf32, #tpu.memory_space<hbm>>
        tpu.enqueue_indirect_dma source(%dma_start3A_208 : memref<100000xf32, #tpu.memory_space<hbm>>) target(%dma_start3A_200 : memref<128xf32, #tpu.memory_space<vmem>>) offsets(%dma_start3A_203 : memref<128xi32, #tpu.memory_space<vmem>>) semaphore(%arg7 : memref<!tpu.dma_semaphore, #tpu.memory_space<semaphore_mem>>)
        %dma_start3A_209 = arith.constant 12 : i32
        %dma_start3A_210 = arith.constant 12 : i32
        %dma_start3A_211 = arith.constant 0 : i32
        %dma_start3A_212 = tpu.memref_slice %arg6[%rem3A_48, %dma_start3A_210, %dma_start3A_211] : memref<2x16x128xf32, #tpu.memory_space<vmem>> -> memref<1x1x128xf32, #tpu.memory_space<vmem>>
        %dma_start3A_213 = tpu.memref_squeeze %dma_start3A_212 : memref<1x1x128xf32, #tpu.memory_space<vmem>> -> memref<128xf32, #tpu.memory_space<vmem>>
        %dma_start3A_214 = arith.constant 0 : i32
        %dma_start3A_215 = tpu.memref_slice %arg5[%scan3A_47, %dma_start3A_214] : memref<15x128xi32, #tpu.memory_space<vmem>> -> memref<1x128xi32, #tpu.memory_space<vmem>>
        %dma_start3A_216 = tpu.memref_squeeze %dma_start3A_215 : memref<1x128xi32, #tpu.memory_space<vmem>> -> memref<128xi32, #tpu.memory_space<vmem>>
        %dma_start3A_217 = arith.constant 0 : i32
        %dma_start3A_218 = tpu.memref_slice %arg3[%scan3A_47, %dma_start3A_209, %dma_start3A_217] : memref<15x16x100000xf32, #tpu.memory_space<hbm>> -> memref<1x1x100000xf32, #tpu.memory_space<hbm>>
        %dma_start3A_219 = tpu.memref_squeeze %dma_start3A_218 : memref<1x1x100000xf32, #tpu.memory_space<hbm>> -> memref<100000xf32, #tpu.memory_space<hbm>>
        %dma_start3A_220 = arith.constant 0 : i32
        %dma_start3A_221 = tpu.memref_slice %dma_start3A_219[%dma_start3A_220] : memref<100000xf32, #tpu.memory_space<hbm>> -> memref<100000xf32, #tpu.memory_space<hbm>>
        tpu.enqueue_indirect_dma source(%dma_start3A_221 : memref<100000xf32, #tpu.memory_space<hbm>>) target(%dma_start3A_213 : memref<128xf32, #tpu.memory_space<vmem>>) offsets(%dma_start3A_216 : memref<128xi32, #tpu.memory_space<vmem>>) semaphore(%arg7 : memref<!tpu.dma_semaphore, #tpu.memory_space<semaphore_mem>>)
        %dma_start3A_222 = arith.constant 13 : i32
        %dma_start3A_223 = arith.constant 13 : i32
        %dma_start3A_224 = arith.constant 0 : i32
        %dma_start3A_225 = tpu.memref_slice %arg6[%rem3A_48, %dma_start3A_223, %dma_start3A_224] : memref<2x16x128xf32, #tpu.memory_space<vmem>> -> memref<1x1x128xf32, #tpu.memory_space<vmem>>
        %dma_start3A_226 = tpu.memref_squeeze %dma_start3A_225 : memref<1x1x128xf32, #tpu.memory_space<vmem>> -> memref<128xf32, #tpu.memory_space<vmem>>
        %dma_start3A_227 = arith.constant 0 : i32
        %dma_start3A_228 = tpu.memref_slice %arg5[%scan3A_47, %dma_start3A_227] : memref<15x128xi32, #tpu.memory_space<vmem>> -> memref<1x128xi32, #tpu.memory_space<vmem>>
        %dma_start3A_229 = tpu.memref_squeeze %dma_start3A_228 : memref<1x128xi32, #tpu.memory_space<vmem>> -> memref<128xi32, #tpu.memory_space<vmem>>
        %dma_start3A_230 = arith.constant 0 : i32
        %dma_start3A_231 = tpu.memref_slice %arg3[%scan3A_47, %dma_start3A_222, %dma_start3A_230] : memref<15x16x100000xf32, #tpu.memory_space<hbm>> -> memref<1x1x100000xf32, #tpu.memory_space<hbm>>
        %dma_start3A_232 = tpu.memref_squeeze %dma_start3A_231 : memref<1x1x100000xf32, #tpu.memory_space<hbm>> -> memref<100000xf32, #tpu.memory_space<hbm>>
        %dma_start3A_233 = arith.constant 0 : i32
        %dma_start3A_234 = tpu.memref_slice %dma_start3A_232[%dma_start3A_233] : memref<100000xf32, #tpu.memory_space<hbm>> -> memref<100000xf32, #tpu.memory_space<hbm>>
        tpu.enqueue_indirect_dma source(%dma_start3A_234 : memref<100000xf32, #tpu.memory_space<hbm>>) target(%dma_start3A_226 : memref<128xf32, #tpu.memory_space<vmem>>) offsets(%dma_start3A_229 : memref<128xi32, #tpu.memory_space<vmem>>) semaphore(%arg7 : memref<!tpu.dma_semaphore, #tpu.memory_space<semaphore_mem>>)
        %dma_start3A_235 = arith.constant 14 : i32
        %dma_start3A_236 = arith.constant 14 : i32
        %dma_start3A_237 = arith.constant 0 : i32
        %dma_start3A_238 = tpu.memref_slice %arg6[%rem3A_48, %dma_start3A_236, %dma_start3A_237] : memref<2x16x128xf32, #tpu.memory_space<vmem>> -> memref<1x1x128xf32, #tpu.memory_space<vmem>>
        %dma_start3A_239 = tpu.memref_squeeze %dma_start3A_238 : memref<1x1x128xf32, #tpu.memory_space<vmem>> -> memref<128xf32, #tpu.memory_space<vmem>>
        %dma_start3A_240 = arith.constant 0 : i32
        %dma_start3A_241 = tpu.memref_slice %arg5[%scan3A_47, %dma_start3A_240] : memref<15x128xi32, #tpu.memory_space<vmem>> -> memref<1x128xi32, #tpu.memory_space<vmem>>
        %dma_start3A_242 = tpu.memref_squeeze %dma_start3A_241 : memref<1x128xi32, #tpu.memory_space<vmem>> -> memref<128xi32, #tpu.memory_space<vmem>>
        %dma_start3A_243 = arith.constant 0 : i32
        %dma_start3A_244 = tpu.memref_slice %arg3[%scan3A_47, %dma_start3A_235, %dma_start3A_243] : memref<15x16x100000xf32, #tpu.memory_space<hbm>> -> memref<1x1x100000xf32, #tpu.memory_space<hbm>>
        %dma_start3A_245 = tpu.memref_squeeze %dma_start3A_244 : memref<1x1x100000xf32, #tpu.memory_space<hbm>> -> memref<100000xf32, #tpu.memory_space<hbm>>
        %dma_start3A_246 = arith.constant 0 : i32
        %dma_start3A_247 = tpu.memref_slice %dma_start3A_245[%dma_start3A_246] : memref<100000xf32, #tpu.memory_space<hbm>> -> memref<100000xf32, #tpu.memory_space<hbm>>
        tpu.enqueue_indirect_dma source(%dma_start3A_247 : memref<100000xf32, #tpu.memory_space<hbm>>) target(%dma_start3A_239 : memref<128xf32, #tpu.memory_space<vmem>>) offsets(%dma_start3A_242 : memref<128xi32, #tpu.memory_space<vmem>>) semaphore(%arg7 : memref<!tpu.dma_semaphore, #tpu.memory_space<semaphore_mem>>)
        %dma_start3A_248 = arith.constant 15 : i32
        %dma_start3A_249 = arith.constant 15 : i32
        %dma_start3A_250 = arith.constant 0 : i32
        %dma_start3A_251 = tpu.memref_slice %arg6[%rem3A_48, %dma_start3A_249, %dma_start3A_250] : memref<2x16x128xf32, #tpu.memory_space<vmem>> -> memref<1x1x128xf32, #tpu.memory_space<vmem>>
        %dma_start3A_252 = tpu.memref_squeeze %dma_start3A_251 : memref<1x1x128xf32, #tpu.memory_space<vmem>> -> memref<128xf32, #tpu.memory_space<vmem>>
        %dma_start3A_253 = arith.constant 0 : i32
        %dma_start3A_254 = tpu.memref_slice %arg5[%scan3A_47, %dma_start3A_253] : memref<15x128xi32, #tpu.memory_space<vmem>> -> memref<1x128xi32, #tpu.memory_space<vmem>>
        %dma_start3A_255 = tpu.memref_squeeze %dma_start3A_254 : memref<1x128xi32, #tpu.memory_space<vmem>> -> memref<128xi32, #tpu.memory_space<vmem>>
        %dma_start3A_256 = arith.constant 0 : i32
        %dma_start3A_257 = tpu.memref_slice %arg3[%scan3A_47, %dma_start3A_248, %dma_start3A_256] : memref<15x16x100000xf32, #tpu.memory_space<hbm>> -> memref<1x1x100000xf32, #tpu.memory_space<hbm>>
        %dma_start3A_258 = tpu.memref_squeeze %dma_start3A_257 : memref<1x1x100000xf32, #tpu.memory_space<hbm>> -> memref<100000xf32, #tpu.memory_space<hbm>>
        %dma_start3A_259 = arith.constant 0 : i32
        %dma_start3A_260 = tpu.memref_slice %dma_start3A_258[%dma_start3A_259] : memref<100000xf32, #tpu.memory_space<hbm>> -> memref<100000xf32, #tpu.memory_space<hbm>>
        tpu.enqueue_indirect_dma source(%dma_start3A_260 : memref<100000xf32, #tpu.memory_space<hbm>>) target(%dma_start3A_252 : memref<128xf32, #tpu.memory_space<vmem>>) offsets(%dma_start3A_255 : memref<128xi32, #tpu.memory_space<vmem>>) semaphore(%arg7 : memref<!tpu.dma_semaphore, #tpu.memory_space<semaphore_mem>>)
        %dma_wait3A_261 = arith.constant 0 : i32
        %dma_wait3A_262 = arith.constant 0 : i32
        %dma_wait3A_263 = arith.constant 0 : i32
        %dma_wait3A_264 = tpu.memref_slice %arg6[%rem3A_48, %dma_wait3A_262, %dma_wait3A_263] : memref<2x16x128xf32, #tpu.memory_space<vmem>> -> memref<1x1x128xf32, #tpu.memory_space<vmem>>
        %dma_wait3A_265 = tpu.memref_squeeze %dma_wait3A_264 : memref<1x1x128xf32, #tpu.memory_space<vmem>> -> memref<128xf32, #tpu.memory_space<vmem>>
        %dma_wait3A_266 = arith.constant 0 : i32
        %dma_wait3A_267 = tpu.memref_slice %arg5[%scan3A_47, %dma_wait3A_266] : memref<15x128xi32, #tpu.memory_space<vmem>> -> memref<1x128xi32, #tpu.memory_space<vmem>>
        %dma_wait3A_268 = tpu.memref_squeeze %dma_wait3A_267 : memref<1x128xi32, #tpu.memory_space<vmem>> -> memref<128xi32, #tpu.memory_space<vmem>>
        %dma_wait3A_269 = arith.constant 0 : i32
        %dma_wait3A_270 = tpu.memref_slice %arg3[%scan3A_47, %dma_wait3A_261, %dma_wait3A_269] : memref<15x16x100000xf32, #tpu.memory_space<hbm>> -> memref<1x1x100000xf32, #tpu.memory_space<hbm>>
        %dma_wait3A_271 = tpu.memref_squeeze %dma_wait3A_270 : memref<1x1x100000xf32, #tpu.memory_space<hbm>> -> memref<100000xf32, #tpu.memory_space<hbm>>
        %dma_wait3A_272 = arith.constant 0 : i32
        %dma_wait3A_273 = tpu.memref_slice %dma_wait3A_271[%dma_wait3A_272] : memref<100000xf32, #tpu.memory_space<hbm>> -> memref<100000xf32, #tpu.memory_space<hbm>>
        tpu.wait_indirect_dma semaphore(%arg7 : memref<!tpu.dma_semaphore, #tpu.memory_space<semaphore_mem>>) src(%dma_wait3A_273 : memref<100000xf32, #tpu.memory_space<hbm>>) dst(%dma_wait3A_265 : memref<128xf32, #tpu.memory_space<vmem>>)
        %dma_wait3A_274 = arith.constant 1 : i32
        %dma_wait3A_275 = arith.constant 1 : i32
        %dma_wait3A_276 = arith.constant 0 : i32
        %dma_wait3A_277 = tpu.memref_slice %arg6[%rem3A_48, %dma_wait3A_275, %dma_wait3A_276] : memref<2x16x128xf32, #tpu.memory_space<vmem>> -> memref<1x1x128xf32, #tpu.memory_space<vmem>>
        %dma_wait3A_278 = tpu.memref_squeeze %dma_wait3A_277 : memref<1x1x128xf32, #tpu.memory_space<vmem>> -> memref<128xf32, #tpu.memory_space<vmem>>
        %dma_wait3A_279 = arith.constant 0 : i32
        %dma_wait3A_280 = tpu.memref_slice %arg5[%scan3A_47, %dma_wait3A_279] : memref<15x128xi32, #tpu.memory_space<vmem>> -> memref<1x128xi32, #tpu.memory_space<vmem>>
        %dma_wait3A_281 = tpu.memref_squeeze %dma_wait3A_280 : memref<1x128xi32, #tpu.memory_space<vmem>> -> memref<128xi32, #tpu.memory_space<vmem>>
        %dma_wait3A_282 = arith.constant 0 : i32
        %dma_wait3A_283 = tpu.memref_slice %arg3[%scan3A_47, %dma_wait3A_274, %dma_wait3A_282] : memref<15x16x100000xf32, #tpu.memory_space<hbm>> -> memref<1x1x100000xf32, #tpu.memory_space<hbm>>
        %dma_wait3A_284 = tpu.memref_squeeze %dma_wait3A_283 : memref<1x1x100000xf32, #tpu.memory_space<hbm>> -> memref<100000xf32, #tpu.memory_space<hbm>>
        %dma_wait3A_285 = arith.constant 0 : i32
        %dma_wait3A_286 = tpu.memref_slice %dma_wait3A_284[%dma_wait3A_285] : memref<100000xf32, #tpu.memory_space<hbm>> -> memref<100000xf32, #tpu.memory_space<hbm>>
        tpu.wait_indirect_dma semaphore(%arg7 : memref<!tpu.dma_semaphore, #tpu.memory_space<semaphore_mem>>) src(%dma_wait3A_286 : memref<100000xf32, #tpu.memory_space<hbm>>) dst(%dma_wait3A_278 : memref<128xf32, #tpu.memory_space<vmem>>)
        %dma_wait3A_287 = arith.constant 2 : i32
        %dma_wait3A_288 = arith.constant 2 : i32
        %dma_wait3A_289 = arith.constant 0 : i32
        %dma_wait3A_290 = tpu.memref_slice %arg6[%rem3A_48, %dma_wait3A_288, %dma_wait3A_289] : memref<2x16x128xf32, #tpu.memory_space<vmem>> -> memref<1x1x128xf32, #tpu.memory_space<vmem>>
        %dma_wait3A_291 = tpu.memref_squeeze %dma_wait3A_290 : memref<1x1x128xf32, #tpu.memory_space<vmem>> -> memref<128xf32, #tpu.memory_space<vmem>>
        %dma_wait3A_292 = arith.constant 0 : i32
        %dma_wait3A_293 = tpu.memref_slice %arg5[%scan3A_47, %dma_wait3A_292] : memref<15x128xi32, #tpu.memory_space<vmem>> -> memref<1x128xi32, #tpu.memory_space<vmem>>
        %dma_wait3A_294 = tpu.memref_squeeze %dma_wait3A_293 : memref<1x128xi32, #tpu.memory_space<vmem>> -> memref<128xi32, #tpu.memory_space<vmem>>
        %dma_wait3A_295 = arith.constant 0 : i32
        %dma_wait3A_296 = tpu.memref_slice %arg3[%scan3A_47, %dma_wait3A_287, %dma_wait3A_295] : memref<15x16x100000xf32, #tpu.memory_space<hbm>> -> memref<1x1x100000xf32, #tpu.memory_space<hbm>>
        %dma_wait3A_297 = tpu.memref_squeeze %dma_wait3A_296 : memref<1x1x100000xf32, #tpu.memory_space<hbm>> -> memref<100000xf32, #tpu.memory_space<hbm>>
        %dma_wait3A_298 = arith.constant 0 : i32
        %dma_wait3A_299 = tpu.memref_slice %dma_wait3A_297[%dma_wait3A_298] : memref<100000xf32, #tpu.memory_space<hbm>> -> memref<100000xf32, #tpu.memory_space<hbm>>
        tpu.wait_indirect_dma semaphore(%arg7 : memref<!tpu.dma_semaphore, #tpu.memory_space<semaphore_mem>>) src(%dma_wait3A_299 : memref<100000xf32, #tpu.memory_space<hbm>>) dst(%dma_wait3A_291 : memref<128xf32, #tpu.memory_space<vmem>>)
        %dma_wait3A_300 = arith.constant 3 : i32
        %dma_wait3A_301 = arith.constant 3 : i32
        %dma_wait3A_302 = arith.constant 0 : i32
        %dma_wait3A_303 = tpu.memref_slice %arg6[%rem3A_48, %dma_wait3A_301, %dma_wait3A_302] : memref<2x16x128xf32, #tpu.memory_space<vmem>> -> memref<1x1x128xf32, #tpu.memory_space<vmem>>
        %dma_wait3A_304 = tpu.memref_squeeze %dma_wait3A_303 : memref<1x1x128xf32, #tpu.memory_space<vmem>> -> memref<128xf32, #tpu.memory_space<vmem>>
        %dma_wait3A_305 = arith.constant 0 : i32
        %dma_wait3A_306 = tpu.memref_slice %arg5[%scan3A_47, %dma_wait3A_305] : memref<15x128xi32, #tpu.memory_space<vmem>> -> memref<1x128xi32, #tpu.memory_space<vmem>>
        %dma_wait3A_307 = tpu.memref_squeeze %dma_wait3A_306 : memref<1x128xi32, #tpu.memory_space<vmem>> -> memref<128xi32, #tpu.memory_space<vmem>>
        %dma_wait3A_308 = arith.constant 0 : i32
        %dma_wait3A_309 = tpu.memref_slice %arg3[%scan3A_47, %dma_wait3A_300, %dma_wait3A_308] : memref<15x16x100000xf32, #tpu.memory_space<hbm>> -> memref<1x1x100000xf32, #tpu.memory_space<hbm>>
        %dma_wait3A_310 = tpu.memref_squeeze %dma_wait3A_309 : memref<1x1x100000xf32, #tpu.memory_space<hbm>> -> memref<100000xf32, #tpu.memory_space<hbm>>
        %dma_wait3A_311 = arith.constant 0 : i32
        %dma_wait3A_312 = tpu.memref_slice %dma_wait3A_310[%dma_wait3A_311] : memref<100000xf32, #tpu.memory_space<hbm>> -> memref<100000xf32, #tpu.memory_space<hbm>>
        tpu.wait_indirect_dma semaphore(%arg7 : memref<!tpu.dma_semaphore, #tpu.memory_space<semaphore_mem>>) src(%dma_wait3A_312 : memref<100000xf32, #tpu.memory_space<hbm>>) dst(%dma_wait3A_304 : memref<128xf32, #tpu.memory_space<vmem>>)
        %dma_wait3A_313 = arith.constant 4 : i32
        %dma_wait3A_314 = arith.constant 4 : i32
        %dma_wait3A_315 = arith.constant 0 : i32
        %dma_wait3A_316 = tpu.memref_slice %arg6[%rem3A_48, %dma_wait3A_314, %dma_wait3A_315] : memref<2x16x128xf32, #tpu.memory_space<vmem>> -> memref<1x1x128xf32, #tpu.memory_space<vmem>>
        %dma_wait3A_317 = tpu.memref_squeeze %dma_wait3A_316 : memref<1x1x128xf32, #tpu.memory_space<vmem>> -> memref<128xf32, #tpu.memory_space<vmem>>
        %dma_wait3A_318 = arith.constant 0 : i32
        %dma_wait3A_319 = tpu.memref_slice %arg5[%scan3A_47, %dma_wait3A_318] : memref<15x128xi32, #tpu.memory_space<vmem>> -> memref<1x128xi32, #tpu.memory_space<vmem>>
        %dma_wait3A_320 = tpu.memref_squeeze %dma_wait3A_319 : memref<1x128xi32, #tpu.memory_space<vmem>> -> memref<128xi32, #tpu.memory_space<vmem>>
        %dma_wait3A_321 = arith.constant 0 : i32
        %dma_wait3A_322 = tpu.memref_slice %arg3[%scan3A_47, %dma_wait3A_313, %dma_wait3A_321] : memref<15x16x100000xf32, #tpu.memory_space<hbm>> -> memref<1x1x100000xf32, #tpu.memory_space<hbm>>
        %dma_wait3A_323 = tpu.memref_squeeze %dma_wait3A_322 : memref<1x1x100000xf32, #tpu.memory_space<hbm>> -> memref<100000xf32, #tpu.memory_space<hbm>>
        %dma_wait3A_324 = arith.constant 0 : i32
        %dma_wait3A_325 = tpu.memref_slice %dma_wait3A_323[%dma_wait3A_324] : memref<100000xf32, #tpu.memory_space<hbm>> -> memref<100000xf32, #tpu.memory_space<hbm>>
        tpu.wait_indirect_dma semaphore(%arg7 : memref<!tpu.dma_semaphore, #tpu.memory_space<semaphore_mem>>) src(%dma_wait3A_325 : memref<100000xf32, #tpu.memory_space<hbm>>) dst(%dma_wait3A_317 : memref<128xf32, #tpu.memory_space<vmem>>)
        %dma_wait3A_326 = arith.constant 5 : i32
        %dma_wait3A_327 = arith.constant 5 : i32
        %dma_wait3A_328 = arith.constant 0 : i32
        %dma_wait3A_329 = tpu.memref_slice %arg6[%rem3A_48, %dma_wait3A_327, %dma_wait3A_328] : memref<2x16x128xf32, #tpu.memory_space<vmem>> -> memref<1x1x128xf32, #tpu.memory_space<vmem>>
        %dma_wait3A_330 = tpu.memref_squeeze %dma_wait3A_329 : memref<1x1x128xf32, #tpu.memory_space<vmem>> -> memref<128xf32, #tpu.memory_space<vmem>>
        %dma_wait3A_331 = arith.constant 0 : i32
        %dma_wait3A_332 = tpu.memref_slice %arg5[%scan3A_47, %dma_wait3A_331] : memref<15x128xi32, #tpu.memory_space<vmem>> -> memref<1x128xi32, #tpu.memory_space<vmem>>
        %dma_wait3A_333 = tpu.memref_squeeze %dma_wait3A_332 : memref<1x128xi32, #tpu.memory_space<vmem>> -> memref<128xi32, #tpu.memory_space<vmem>>
        %dma_wait3A_334 = arith.constant 0 : i32
        %dma_wait3A_335 = tpu.memref_slice %arg3[%scan3A_47, %dma_wait3A_326, %dma_wait3A_334] : memref<15x16x100000xf32, #tpu.memory_space<hbm>> -> memref<1x1x100000xf32, #tpu.memory_space<hbm>>
        %dma_wait3A_336 = tpu.memref_squeeze %dma_wait3A_335 : memref<1x1x100000xf32, #tpu.memory_space<hbm>> -> memref<100000xf32, #tpu.memory_space<hbm>>
        %dma_wait3A_337 = arith.constant 0 : i32
        %dma_wait3A_338 = tpu.memref_slice %dma_wait3A_336[%dma_wait3A_337] : memref<100000xf32, #tpu.memory_space<hbm>> -> memref<100000xf32, #tpu.memory_space<hbm>>
        tpu.wait_indirect_dma semaphore(%arg7 : memref<!tpu.dma_semaphore, #tpu.memory_space<semaphore_mem>>) src(%dma_wait3A_338 : memref<100000xf32, #tpu.memory_space<hbm>>) dst(%dma_wait3A_330 : memref<128xf32, #tpu.memory_space<vmem>>)
        %dma_wait3A_339 = arith.constant 6 : i32
        %dma_wait3A_340 = arith.constant 6 : i32
        %dma_wait3A_341 = arith.constant 0 : i32
        %dma_wait3A_342 = tpu.memref_slice %arg6[%rem3A_48, %dma_wait3A_340, %dma_wait3A_341] : memref<2x16x128xf32, #tpu.memory_space<vmem>> -> memref<1x1x128xf32, #tpu.memory_space<vmem>>
        %dma_wait3A_343 = tpu.memref_squeeze %dma_wait3A_342 : memref<1x1x128xf32, #tpu.memory_space<vmem>> -> memref<128xf32, #tpu.memory_space<vmem>>
        %dma_wait3A_344 = arith.constant 0 : i32
        %dma_wait3A_345 = tpu.memref_slice %arg5[%scan3A_47, %dma_wait3A_344] : memref<15x128xi32, #tpu.memory_space<vmem>> -> memref<1x128xi32, #tpu.memory_space<vmem>>
        %dma_wait3A_346 = tpu.memref_squeeze %dma_wait3A_345 : memref<1x128xi32, #tpu.memory_space<vmem>> -> memref<128xi32, #tpu.memory_space<vmem>>
        %dma_wait3A_347 = arith.constant 0 : i32
        %dma_wait3A_348 = tpu.memref_slice %arg3[%scan3A_47, %dma_wait3A_339, %dma_wait3A_347] : memref<15x16x100000xf32, #tpu.memory_space<hbm>> -> memref<1x1x100000xf32, #tpu.memory_space<hbm>>
        %dma_wait3A_349 = tpu.memref_squeeze %dma_wait3A_348 : memref<1x1x100000xf32, #tpu.memory_space<hbm>> -> memref<100000xf32, #tpu.memory_space<hbm>>
        %dma_wait3A_350 = arith.constant 0 : i32
        %dma_wait3A_351 = tpu.memref_slice %dma_wait3A_349[%dma_wait3A_350] : memref<100000xf32, #tpu.memory_space<hbm>> -> memref<100000xf32, #tpu.memory_space<hbm>>
        tpu.wait_indirect_dma semaphore(%arg7 : memref<!tpu.dma_semaphore, #tpu.memory_space<semaphore_mem>>) src(%dma_wait3A_351 : memref<100000xf32, #tpu.memory_space<hbm>>) dst(%dma_wait3A_343 : memref<128xf32, #tpu.memory_space<vmem>>)
        %dma_wait3A_352 = arith.constant 7 : i32
        %dma_wait3A_353 = arith.constant 7 : i32
        %dma_wait3A_354 = arith.constant 0 : i32
        %dma_wait3A_355 = tpu.memref_slice %arg6[%rem3A_48, %dma_wait3A_353, %dma_wait3A_354] : memref<2x16x128xf32, #tpu.memory_space<vmem>> -> memref<1x1x128xf32, #tpu.memory_space<vmem>>
        %dma_wait3A_356 = tpu.memref_squeeze %dma_wait3A_355 : memref<1x1x128xf32, #tpu.memory_space<vmem>> -> memref<128xf32, #tpu.memory_space<vmem>>
        %dma_wait3A_357 = arith.constant 0 : i32
        %dma_wait3A_358 = tpu.memref_slice %arg5[%scan3A_47, %dma_wait3A_357] : memref<15x128xi32, #tpu.memory_space<vmem>> -> memref<1x128xi32, #tpu.memory_space<vmem>>
        %dma_wait3A_359 = tpu.memref_squeeze %dma_wait3A_358 : memref<1x128xi32, #tpu.memory_space<vmem>> -> memref<128xi32, #tpu.memory_space<vmem>>
        %dma_wait3A_360 = arith.constant 0 : i32
        %dma_wait3A_361 = tpu.memref_slice %arg3[%scan3A_47, %dma_wait3A_352, %dma_wait3A_360] : memref<15x16x100000xf32, #tpu.memory_space<hbm>> -> memref<1x1x100000xf32, #tpu.memory_space<hbm>>
        %dma_wait3A_362 = tpu.memref_squeeze %dma_wait3A_361 : memref<1x1x100000xf32, #tpu.memory_space<hbm>> -> memref<100000xf32, #tpu.memory_space<hbm>>
        %dma_wait3A_363 = arith.constant 0 : i32
        %dma_wait3A_364 = tpu.memref_slice %dma_wait3A_362[%dma_wait3A_363] : memref<100000xf32, #tpu.memory_space<hbm>> -> memref<100000xf32, #tpu.memory_space<hbm>>
        tpu.wait_indirect_dma semaphore(%arg7 : memref<!tpu.dma_semaphore, #tpu.memory_space<semaphore_mem>>) src(%dma_wait3A_364 : memref<100000xf32, #tpu.memory_space<hbm>>) dst(%dma_wait3A_356 : memref<128xf32, #tpu.memory_space<vmem>>)
        %dma_wait3A_365 = arith.constant 8 : i32
        %dma_wait3A_366 = arith.constant 8 : i32
        %dma_wait3A_367 = arith.constant 0 : i32
        %dma_wait3A_368 = tpu.memref_slice %arg6[%rem3A_48, %dma_wait3A_366, %dma_wait3A_367] : memref<2x16x128xf32, #tpu.memory_space<vmem>> -> memref<1x1x128xf32, #tpu.memory_space<vmem>>
        %dma_wait3A_369 = tpu.memref_squeeze %dma_wait3A_368 : memref<1x1x128xf32, #tpu.memory_space<vmem>> -> memref<128xf32, #tpu.memory_space<vmem>>
        %dma_wait3A_370 = arith.constant 0 : i32
        %dma_wait3A_371 = tpu.memref_slice %arg5[%scan3A_47, %dma_wait3A_370] : memref<15x128xi32, #tpu.memory_space<vmem>> -> memref<1x128xi32, #tpu.memory_space<vmem>>
        %dma_wait3A_372 = tpu.memref_squeeze %dma_wait3A_371 : memref<1x128xi32, #tpu.memory_space<vmem>> -> memref<128xi32, #tpu.memory_space<vmem>>
        %dma_wait3A_373 = arith.constant 0 : i32
        %dma_wait3A_374 = tpu.memref_slice %arg3[%scan3A_47, %dma_wait3A_365, %dma_wait3A_373] : memref<15x16x100000xf32, #tpu.memory_space<hbm>> -> memref<1x1x100000xf32, #tpu.memory_space<hbm>>
        %dma_wait3A_375 = tpu.memref_squeeze %dma_wait3A_374 : memref<1x1x100000xf32, #tpu.memory_space<hbm>> -> memref<100000xf32, #tpu.memory_space<hbm>>
        %dma_wait3A_376 = arith.constant 0 : i32
        %dma_wait3A_377 = tpu.memref_slice %dma_wait3A_375[%dma_wait3A_376] : memref<100000xf32, #tpu.memory_space<hbm>> -> memref<100000xf32, #tpu.memory_space<hbm>>
        tpu.wait_indirect_dma semaphore(%arg7 : memref<!tpu.dma_semaphore, #tpu.memory_space<semaphore_mem>>) src(%dma_wait3A_377 : memref<100000xf32, #tpu.memory_space<hbm>>) dst(%dma_wait3A_369 : memref<128xf32, #tpu.memory_space<vmem>>)
        %dma_wait3A_378 = arith.constant 9 : i32
        %dma_wait3A_379 = arith.constant 9 : i32
        %dma_wait3A_380 = arith.constant 0 : i32
        %dma_wait3A_381 = tpu.memref_slice %arg6[%rem3A_48, %dma_wait3A_379, %dma_wait3A_380] : memref<2x16x128xf32, #tpu.memory_space<vmem>> -> memref<1x1x128xf32, #tpu.memory_space<vmem>>
        %dma_wait3A_382 = tpu.memref_squeeze %dma_wait3A_381 : memref<1x1x128xf32, #tpu.memory_space<vmem>> -> memref<128xf32, #tpu.memory_space<vmem>>
        %dma_wait3A_383 = arith.constant 0 : i32
        %dma_wait3A_384 = tpu.memref_slice %arg5[%scan3A_47, %dma_wait3A_383] : memref<15x128xi32, #tpu.memory_space<vmem>> -> memref<1x128xi32, #tpu.memory_space<vmem>>
        %dma_wait3A_385 = tpu.memref_squeeze %dma_wait3A_384 : memref<1x128xi32, #tpu.memory_space<vmem>> -> memref<128xi32, #tpu.memory_space<vmem>>
        %dma_wait3A_386 = arith.constant 0 : i32
        %dma_wait3A_387 = tpu.memref_slice %arg3[%scan3A_47, %dma_wait3A_378, %dma_wait3A_386] : memref<15x16x100000xf32, #tpu.memory_space<hbm>> -> memref<1x1x100000xf32, #tpu.memory_space<hbm>>
        %dma_wait3A_388 = tpu.memref_squeeze %dma_wait3A_387 : memref<1x1x100000xf32, #tpu.memory_space<hbm>> -> memref<100000xf32, #tpu.memory_space<hbm>>
        %dma_wait3A_389 = arith.constant 0 : i32
        %dma_wait3A_390 = tpu.memref_slice %dma_wait3A_388[%dma_wait3A_389] : memref<100000xf32, #tpu.memory_space<hbm>> -> memref<100000xf32, #tpu.memory_space<hbm>>
        tpu.wait_indirect_dma semaphore(%arg7 : memref<!tpu.dma_semaphore, #tpu.memory_space<semaphore_mem>>) src(%dma_wait3A_390 : memref<100000xf32, #tpu.memory_space<hbm>>) dst(%dma_wait3A_382 : memref<128xf32, #tpu.memory_space<vmem>>)
        %dma_wait3A_391 = arith.constant 10 : i32
        %dma_wait3A_392 = arith.constant 10 : i32
        %dma_wait3A_393 = arith.constant 0 : i32
        %dma_wait3A_394 = tpu.memref_slice %arg6[%rem3A_48, %dma_wait3A_392, %dma_wait3A_393] : memref<2x16x128xf32, #tpu.memory_space<vmem>> -> memref<1x1x128xf32, #tpu.memory_space<vmem>>
        %dma_wait3A_395 = tpu.memref_squeeze %dma_wait3A_394 : memref<1x1x128xf32, #tpu.memory_space<vmem>> -> memref<128xf32, #tpu.memory_space<vmem>>
        %dma_wait3A_396 = arith.constant 0 : i32
        %dma_wait3A_397 = tpu.memref_slice %arg5[%scan3A_47, %dma_wait3A_396] : memref<15x128xi32, #tpu.memory_space<vmem>> -> memref<1x128xi32, #tpu.memory_space<vmem>>
        %dma_wait3A_398 = tpu.memref_squeeze %dma_wait3A_397 : memref<1x128xi32, #tpu.memory_space<vmem>> -> memref<128xi32, #tpu.memory_space<vmem>>
        %dma_wait3A_399 = arith.constant 0 : i32
        %dma_wait3A_400 = tpu.memref_slice %arg3[%scan3A_47, %dma_wait3A_391, %dma_wait3A_399] : memref<15x16x100000xf32, #tpu.memory_space<hbm>> -> memref<1x1x100000xf32, #tpu.memory_space<hbm>>
        %dma_wait3A_401 = tpu.memref_squeeze %dma_wait3A_400 : memref<1x1x100000xf32, #tpu.memory_space<hbm>> -> memref<100000xf32, #tpu.memory_space<hbm>>
        %dma_wait3A_402 = arith.constant 0 : i32
        %dma_wait3A_403 = tpu.memref_slice %dma_wait3A_401[%dma_wait3A_402] : memref<100000xf32, #tpu.memory_space<hbm>> -> memref<100000xf32, #tpu.memory_space<hbm>>
        tpu.wait_indirect_dma semaphore(%arg7 : memref<!tpu.dma_semaphore, #tpu.memory_space<semaphore_mem>>) src(%dma_wait3A_403 : memref<100000xf32, #tpu.memory_space<hbm>>) dst(%dma_wait3A_395 : memref<128xf32, #tpu.memory_space<vmem>>)
        %dma_wait3A_404 = arith.constant 11 : i32
        %dma_wait3A_405 = arith.constant 11 : i32
        %dma_wait3A_406 = arith.constant 0 : i32
        %dma_wait3A_407 = tpu.memref_slice %arg6[%rem3A_48, %dma_wait3A_405, %dma_wait3A_406] : memref<2x16x128xf32, #tpu.memory_space<vmem>> -> memref<1x1x128xf32, #tpu.memory_space<vmem>>
        %dma_wait3A_408 = tpu.memref_squeeze %dma_wait3A_407 : memref<1x1x128xf32, #tpu.memory_space<vmem>> -> memref<128xf32, #tpu.memory_space<vmem>>
        %dma_wait3A_409 = arith.constant 0 : i32
        %dma_wait3A_410 = tpu.memref_slice %arg5[%scan3A_47, %dma_wait3A_409] : memref<15x128xi32, #tpu.memory_space<vmem>> -> memref<1x128xi32, #tpu.memory_space<vmem>>
        %dma_wait3A_411 = tpu.memref_squeeze %dma_wait3A_410 : memref<1x128xi32, #tpu.memory_space<vmem>> -> memref<128xi32, #tpu.memory_space<vmem>>
        %dma_wait3A_412 = arith.constant 0 : i32
        %dma_wait3A_413 = tpu.memref_slice %arg3[%scan3A_47, %dma_wait3A_404, %dma_wait3A_412] : memref<15x16x100000xf32, #tpu.memory_space<hbm>> -> memref<1x1x100000xf32, #tpu.memory_space<hbm>>
        %dma_wait3A_414 = tpu.memref_squeeze %dma_wait3A_413 : memref<1x1x100000xf32, #tpu.memory_space<hbm>> -> memref<100000xf32, #tpu.memory_space<hbm>>
        %dma_wait3A_415 = arith.constant 0 : i32
        %dma_wait3A_416 = tpu.memref_slice %dma_wait3A_414[%dma_wait3A_415] : memref<100000xf32, #tpu.memory_space<hbm>> -> memref<100000xf32, #tpu.memory_space<hbm>>
        tpu.wait_indirect_dma semaphore(%arg7 : memref<!tpu.dma_semaphore, #tpu.memory_space<semaphore_mem>>) src(%dma_wait3A_416 : memref<100000xf32, #tpu.memory_space<hbm>>) dst(%dma_wait3A_408 : memref<128xf32, #tpu.memory_space<vmem>>)
        %dma_wait3A_417 = arith.constant 12 : i32
        %dma_wait3A_418 = arith.constant 12 : i32
        %dma_wait3A_419 = arith.constant 0 : i32
        %dma_wait3A_420 = tpu.memref_slice %arg6[%rem3A_48, %dma_wait3A_418, %dma_wait3A_419] : memref<2x16x128xf32, #tpu.memory_space<vmem>> -> memref<1x1x128xf32, #tpu.memory_space<vmem>>
        %dma_wait3A_421 = tpu.memref_squeeze %dma_wait3A_420 : memref<1x1x128xf32, #tpu.memory_space<vmem>> -> memref<128xf32, #tpu.memory_space<vmem>>
        %dma_wait3A_422 = arith.constant 0 : i32
        %dma_wait3A_423 = tpu.memref_slice %arg5[%scan3A_47, %dma_wait3A_422] : memref<15x128xi32, #tpu.memory_space<vmem>> -> memref<1x128xi32, #tpu.memory_space<vmem>>
        %dma_wait3A_424 = tpu.memref_squeeze %dma_wait3A_423 : memref<1x128xi32, #tpu.memory_space<vmem>> -> memref<128xi32, #tpu.memory_space<vmem>>
        %dma_wait3A_425 = arith.constant 0 : i32
        %dma_wait3A_426 = tpu.memref_slice %arg3[%scan3A_47, %dma_wait3A_417, %dma_wait3A_425] : memref<15x16x100000xf32, #tpu.memory_space<hbm>> -> memref<1x1x100000xf32, #tpu.memory_space<hbm>>
        %dma_wait3A_427 = tpu.memref_squeeze %dma_wait3A_426 : memref<1x1x100000xf32, #tpu.memory_space<hbm>> -> memref<100000xf32, #tpu.memory_space<hbm>>
        %dma_wait3A_428 = arith.constant 0 : i32
        %dma_wait3A_429 = tpu.memref_slice %dma_wait3A_427[%dma_wait3A_428] : memref<100000xf32, #tpu.memory_space<hbm>> -> memref<100000xf32, #tpu.memory_space<hbm>>
        tpu.wait_indirect_dma semaphore(%arg7 : memref<!tpu.dma_semaphore, #tpu.memory_space<semaphore_mem>>) src(%dma_wait3A_429 : memref<100000xf32, #tpu.memory_space<hbm>>) dst(%dma_wait3A_421 : memref<128xf32, #tpu.memory_space<vmem>>)
        %dma_wait3A_430 = arith.constant 13 : i32
        %dma_wait3A_431 = arith.constant 13 : i32
        %dma_wait3A_432 = arith.constant 0 : i32
        %dma_wait3A_433 = tpu.memref_slice %arg6[%rem3A_48, %dma_wait3A_431, %dma_wait3A_432] : memref<2x16x128xf32, #tpu.memory_space<vmem>> -> memref<1x1x128xf32, #tpu.memory_space<vmem>>
        %dma_wait3A_434 = tpu.memref_squeeze %dma_wait3A_433 : memref<1x1x128xf32, #tpu.memory_space<vmem>> -> memref<128xf32, #tpu.memory_space<vmem>>
        %dma_wait3A_435 = arith.constant 0 : i32
        %dma_wait3A_436 = tpu.memref_slice %arg5[%scan3A_47, %dma_wait3A_435] : memref<15x128xi32, #tpu.memory_space<vmem>> -> memref<1x128xi32, #tpu.memory_space<vmem>>
        %dma_wait3A_437 = tpu.memref_squeeze %dma_wait3A_436 : memref<1x128xi32, #tpu.memory_space<vmem>> -> memref<128xi32, #tpu.memory_space<vmem>>
        %dma_wait3A_438 = arith.constant 0 : i32
        %dma_wait3A_439 = tpu.memref_slice %arg3[%scan3A_47, %dma_wait3A_430, %dma_wait3A_438] : memref<15x16x100000xf32, #tpu.memory_space<hbm>> -> memref<1x1x100000xf32, #tpu.memory_space<hbm>>
        %dma_wait3A_440 = tpu.memref_squeeze %dma_wait3A_439 : memref<1x1x100000xf32, #tpu.memory_space<hbm>> -> memref<100000xf32, #tpu.memory_space<hbm>>
        %dma_wait3A_441 = arith.constant 0 : i32
        %dma_wait3A_442 = tpu.memref_slice %dma_wait3A_440[%dma_wait3A_441] : memref<100000xf32, #tpu.memory_space<hbm>> -> memref<100000xf32, #tpu.memory_space<hbm>>
        tpu.wait_indirect_dma semaphore(%arg7 : memref<!tpu.dma_semaphore, #tpu.memory_space<semaphore_mem>>) src(%dma_wait3A_442 : memref<100000xf32, #tpu.memory_space<hbm>>) dst(%dma_wait3A_434 : memref<128xf32, #tpu.memory_space<vmem>>)
        %dma_wait3A_443 = arith.constant 14 : i32
        %dma_wait3A_444 = arith.constant 14 : i32
        %dma_wait3A_445 = arith.constant 0 : i32
        %dma_wait3A_446 = tpu.memref_slice %arg6[%rem3A_48, %dma_wait3A_444, %dma_wait3A_445] : memref<2x16x128xf32, #tpu.memory_space<vmem>> -> memref<1x1x128xf32, #tpu.memory_space<vmem>>
        %dma_wait3A_447 = tpu.memref_squeeze %dma_wait3A_446 : memref<1x1x128xf32, #tpu.memory_space<vmem>> -> memref<128xf32, #tpu.memory_space<vmem>>
        %dma_wait3A_448 = arith.constant 0 : i32
        %dma_wait3A_449 = tpu.memref_slice %arg5[%scan3A_47, %dma_wait3A_448] : memref<15x128xi32, #tpu.memory_space<vmem>> -> memref<1x128xi32, #tpu.memory_space<vmem>>
        %dma_wait3A_450 = tpu.memref_squeeze %dma_wait3A_449 : memref<1x128xi32, #tpu.memory_space<vmem>> -> memref<128xi32, #tpu.memory_space<vmem>>
        %dma_wait3A_451 = arith.constant 0 : i32
        %dma_wait3A_452 = tpu.memref_slice %arg3[%scan3A_47, %dma_wait3A_443, %dma_wait3A_451] : memref<15x16x100000xf32, #tpu.memory_space<hbm>> -> memref<1x1x100000xf32, #tpu.memory_space<hbm>>
        %dma_wait3A_453 = tpu.memref_squeeze %dma_wait3A_452 : memref<1x1x100000xf32, #tpu.memory_space<hbm>> -> memref<100000xf32, #tpu.memory_space<hbm>>
        %dma_wait3A_454 = arith.constant 0 : i32
        %dma_wait3A_455 = tpu.memref_slice %dma_wait3A_453[%dma_wait3A_454] : memref<100000xf32, #tpu.memory_space<hbm>> -> memref<100000xf32, #tpu.memory_space<hbm>>
        tpu.wait_indirect_dma semaphore(%arg7 : memref<!tpu.dma_semaphore, #tpu.memory_space<semaphore_mem>>) src(%dma_wait3A_455 : memref<100000xf32, #tpu.memory_space<hbm>>) dst(%dma_wait3A_447 : memref<128xf32, #tpu.memory_space<vmem>>)
        %dma_wait3A_456 = arith.constant 15 : i32
        %dma_wait3A_457 = arith.constant 15 : i32
        %dma_wait3A_458 = arith.constant 0 : i32
        %dma_wait3A_459 = tpu.memref_slice %arg6[%rem3A_48, %dma_wait3A_457, %dma_wait3A_458] : memref<2x16x128xf32, #tpu.memory_space<vmem>> -> memref<1x1x128xf32, #tpu.memory_space<vmem>>
        %dma_wait3A_460 = tpu.memref_squeeze %dma_wait3A_459 : memref<1x1x128xf32, #tpu.memory_space<vmem>> -> memref<128xf32, #tpu.memory_space<vmem>>
        %dma_wait3A_461 = arith.constant 0 : i32
        %dma_wait3A_462 = tpu.memref_slice %arg5[%scan3A_47, %dma_wait3A_461] : memref<15x128xi32, #tpu.memory_space<vmem>> -> memref<1x128xi32, #tpu.memory_space<vmem>>
        %dma_wait3A_463 = tpu.memref_squeeze %dma_wait3A_462 : memref<1x128xi32, #tpu.memory_space<vmem>> -> memref<128xi32, #tpu.memory_space<vmem>>
        %dma_wait3A_464 = arith.constant 0 : i32
        %dma_wait3A_465 = tpu.memref_slice %arg3[%scan3A_47, %dma_wait3A_456, %dma_wait3A_464] : memref<15x16x100000xf32, #tpu.memory_space<hbm>> -> memref<1x1x100000xf32, #tpu.memory_space<hbm>>
        %dma_wait3A_466 = tpu.memref_squeeze %dma_wait3A_465 : memref<1x1x100000xf32, #tpu.memory_space<hbm>> -> memref<100000xf32, #tpu.memory_space<hbm>>
        %dma_wait3A_467 = arith.constant 0 : i32
        %dma_wait3A_468 = tpu.memref_slice %dma_wait3A_466[%dma_wait3A_467] : memref<100000xf32, #tpu.memory_space<hbm>> -> memref<100000xf32, #tpu.memory_space<hbm>>
        tpu.wait_indirect_dma semaphore(%arg7 : memref<!tpu.dma_semaphore, #tpu.memory_space<semaphore_mem>>) src(%dma_wait3A_468 : memref<100000xf32, #tpu.memory_space<hbm>>) dst(%dma_wait3A_460 : memref<128xf32, #tpu.memory_space<vmem>>)
        %mul3A_469 = arith.constant 16 : i32
        %mul3A_470 = arith.muli %scan3A_47, %mul3A_469 : i32
        %dma_start3A_471 = arith.constant 0 : i32
        %dma_start3A_472 = arith.constant 0 : i32
        %dma_start3A_473 = tpu.memref_slice %arg6[%rem3A_48, %dma_start3A_471, %dma_start3A_472] : memref<2x16x128xf32, #tpu.memory_space<vmem>> -> memref<1x16x128xf32, #tpu.memory_space<vmem>>
        %dma_start3A_474 = tpu.memref_squeeze %dma_start3A_473 : memref<1x16x128xf32, #tpu.memory_space<vmem>> -> memref<16x128xf32, #tpu.memory_space<vmem>>
        %dma_start3A_475 = tpu.memref_slice %arg4[%mul3A_470, %add3A_40] : memref<240x16384xf32, #tpu.memory_space<hbm>> -> memref<16x128xf32, #tpu.memory_space<hbm>>
        %dma_start3A_476 = tpu.memref_slice %arg4[%mul3A_470, %add3A_40] : memref<240x16384xf32, #tpu.memory_space<hbm>> -> memref<16x128xf32, #tpu.memory_space<hbm>>
        %dma_start3A_477 = arith.constant 0 : i32
        %dma_start3A_478 = arith.constant 0 : i32
        %dma_start3A_479 = tpu.memref_slice %arg6[%rem3A_48, %dma_start3A_477, %dma_start3A_478] : memref<2x16x128xf32, #tpu.memory_space<vmem>> -> memref<1x16x128xf32, #tpu.memory_space<vmem>>
        %dma_start3A_480 = tpu.memref_squeeze %dma_start3A_479 : memref<1x16x128xf32, #tpu.memory_space<vmem>> -> memref<16x128xf32, #tpu.memory_space<vmem>>
        tpu.enqueue_dma source(%dma_start3A_480 : memref<16x128xf32, #tpu.memory_space<vmem>>) target(%dma_start3A_476 : memref<16x128xf32, #tpu.memory_space<hbm>>) target_semaphore(%arg8 : memref<!tpu.dma_semaphore, #tpu.memory_space<semaphore_mem>>)
      }
      %scan3A_46 = arith.constant 15 : i32
    }
    %scan3A_5 = arith.constant 4 : i32
    %dma_wait3A = arith.constant 0 : i32
    %dma_wait3A_6 = arith.constant 0 : i32
    %dma_wait3A_7 = arith.constant 0 : i32
    %dma_wait3A_8 = tpu.memref_slice %arg6[%dma_wait3A, %dma_wait3A_6, %dma_wait3A_7] : memref<2x16x128xf32, #tpu.memory_space<vmem>> -> memref<1x16x128xf32, #tpu.memory_space<vmem>>
    %dma_wait3A_9 = tpu.memref_squeeze %dma_wait3A_8 : memref<1x16x128xf32, #tpu.memory_space<vmem>> -> memref<16x128xf32, #tpu.memory_space<vmem>>
    %dma_wait3A_10 = arith.constant 0 : i32
    %dma_wait3A_11 = arith.constant 0 : i32
    %dma_wait3A_12 = tpu.memref_slice %arg4[%dma_wait3A_10, %dma_wait3A_11] : memref<240x16384xf32, #tpu.memory_space<hbm>> -> memref<16x128xf32, #tpu.memory_space<hbm>>
    %dma_wait3A_13 = arith.constant 0 : i32
    %dma_wait3A_14 = arith.constant 0 : i32
    %dma_wait3A_15 = tpu.memref_slice %arg4[%dma_wait3A_13, %dma_wait3A_14] : memref<240x16384xf32, #tpu.memory_space<hbm>> -> memref<16x128xf32, #tpu.memory_space<hbm>>
    %dma_wait3A_16 = arith.constant 0 : i32
    %dma_wait3A_17 = arith.constant 0 : i32
    %dma_wait3A_18 = tpu.memref_slice %arg6[%dma_wait3A, %dma_wait3A_16, %dma_wait3A_17] : memref<2x16x128xf32, #tpu.memory_space<vmem>> -> memref<1x16x128xf32, #tpu.memory_space<vmem>>
    %dma_wait3A_19 = tpu.memref_squeeze %dma_wait3A_18 : memref<1x16x128xf32, #tpu.memory_space<vmem>> -> memref<16x128xf32, #tpu.memory_space<vmem>>
    tpu.wait_dma2 semaphore(%arg8 : memref<!tpu.dma_semaphore, #tpu.memory_space<semaphore_mem>>) src(%dma_wait3A_19 : memref<16x128xf32, #tpu.memory_space<vmem>>) dst(%dma_wait3A_15 : memref<16x128xf32, #tpu.memory_space<hbm>>)
    %dma_wait3A_20 = arith.constant 1 : i32
    %dma_wait3A_21 = arith.constant 0 : i32
    %dma_wait3A_22 = arith.constant 0 : i32
    %dma_wait3A_23 = tpu.memref_slice %arg6[%dma_wait3A_20, %dma_wait3A_21, %dma_wait3A_22] : memref<2x16x128xf32, #tpu.memory_space<vmem>> -> memref<1x16x128xf32, #tpu.memory_space<vmem>>
    %dma_wait3A_24 = tpu.memref_squeeze %dma_wait3A_23 : memref<1x16x128xf32, #tpu.memory_space<vmem>> -> memref<16x128xf32, #tpu.memory_space<vmem>>
    %dma_wait3A_25 = arith.constant 0 : i32
    %dma_wait3A_26 = arith.constant 0 : i32
    %dma_wait3A_27 = tpu.memref_slice %arg4[%dma_wait3A_25, %dma_wait3A_26] : memref<240x16384xf32, #tpu.memory_space<hbm>> -> memref<16x128xf32, #tpu.memory_space<hbm>>
    %dma_wait3A_28 = arith.constant 0 : i32
    %dma_wait3A_29 = arith.constant 0 : i32
    %dma_wait3A_30 = tpu.memref_slice %arg4[%dma_wait3A_28, %dma_wait3A_29] : memref<240x16384xf32, #tpu.memory_space<hbm>> -> memref<16x128xf32, #tpu.memory_space<hbm>>
    %dma_wait3A_31 = arith.constant 0 : i32
    %dma_wait3A_32 = arith.constant 0 : i32
    %dma_wait3A_33 = tpu.memref_slice %arg6[%dma_wait3A_20, %dma_wait3A_31, %dma_wait3A_32] : memref<2x16x128xf32, #tpu.memory_space<vmem>> -> memref<1x16x128xf32, #tpu.memory_space<vmem>>
    %dma_wait3A_34 = tpu.memref_squeeze %dma_wait3A_33 : memref<1x16x128xf32, #tpu.memory_space<vmem>> -> memref<16x128xf32, #tpu.memory_space<vmem>>
    tpu.wait_dma2 semaphore(%arg8 : memref<!tpu.dma_semaphore, #tpu.memory_space<semaphore_mem>>) src(%dma_wait3A_34 : memref<16x128xf32, #tpu.memory_space<vmem>>) dst(%dma_wait3A_30 : memref<16x128xf32, #tpu.memory_space<hbm>>)
    return
  }
}

#map = affine_map<(d0, d1) -> (0, 0)>
#map1 = affine_map<(d0, d1) -> (0, 0, 0)>
module attributes {stable_mosaic.version = 14 : i64} {
  func.func @k(%arg0: i32, %arg1: i32, %arg2: memref<11x16384xi32, #tpu.memory_space<hbm>>, %arg3: memref<11x16x100000xf32, #tpu.memory_space<hbm>>, %arg4: memref<176x16384xf32, #tpu.memory_space<hbm>>, %arg5: memref<11x128xi32, #tpu.memory_space<vmem>>, %arg6: memref<2x16x128xf32, #tpu.memory_space<vmem>>, %arg7: memref<!tpu.dma_semaphore, #tpu.memory_space<semaphore_mem>>, %arg8: memref<!tpu.dma_semaphore, #tpu.memory_space<semaphore_mem>>) attributes {dimension_semantics = [#tpu.dimension_semantics<core_parallel>, #tpu.dimension_semantics<subcore_parallel>], iteration_bounds = array<i64: 2, 16>, scalar_prefetch = 0 : i64, scratch_operands = 4 : i64, tpu.core_type = #tpu.core_type<sc_vector_subcore>, window_params = [{transform_indices = #map}, {transform_indices = #map1}, {transform_indices = #map}]} {
    %mul3A = arith.constant 2 : i32
    %mul3A_0 = arith.muli %arg1, %mul3A : i32
    %add3A = arith.addi %mul3A_0, %arg0 : i32
    %scan3A = arith.constant 0 : i32
    %scan3A_1 = arith.constant 0 : i32
    %scan3A_2 = arith.constant 4 : i32
    %scan3A_3 = arith.addi %scan3A_1, %scan3A_2 : i32
    %scan3A_4 = arith.constant 1 : i32
    scf.for %scan3A_35 = %scan3A_1 to %scan3A_3 step %scan3A_4  : i32 {
      %mul3A_36 = arith.constant 512 : i32
      %mul3A_37 = arith.muli %add3A, %mul3A_36 : i32
      %mul3A_38 = arith.constant 128 : i32
      %mul3A_39 = arith.muli %scan3A_35, %mul3A_38 : i32
      %add3A_40 = arith.addi %mul3A_37, %mul3A_39 : i32
      "tpu.region"() ({
        %run_scoped3A = tpu.sem_alloc : memref<!tpu.dma_semaphore, #tpu.memory_space<semaphore_mem>>
        %dma_start3A = arith.constant 0 : i32
        %dma_start3A_47 = tpu.memref_slice %arg2[%dma_start3A, %add3A_40] : memref<11x16384xi32, #tpu.memory_space<hbm>> -> memref<11x128xi32, #tpu.memory_space<hbm>>
        %dma_start3A_48 = arith.constant 0 : i32
        %dma_start3A_49 = tpu.memref_slice %arg2[%dma_start3A_48, %add3A_40] : memref<11x16384xi32, #tpu.memory_space<hbm>> -> memref<11x128xi32, #tpu.memory_space<hbm>>
        tpu.enqueue_dma source(%dma_start3A_49 : memref<11x128xi32, #tpu.memory_space<hbm>>) target(%arg5 : memref<11x128xi32, #tpu.memory_space<vmem>>) target_semaphore(%run_scoped3A : memref<!tpu.dma_semaphore, #tpu.memory_space<semaphore_mem>>)
        %dma_wait3A_50 = arith.constant 0 : i32
        %dma_wait3A_51 = tpu.memref_slice %arg2[%dma_wait3A_50, %add3A_40] : memref<11x16384xi32, #tpu.memory_space<hbm>> -> memref<11x128xi32, #tpu.memory_space<hbm>>
        %dma_wait3A_52 = arith.constant 0 : i32
        %dma_wait3A_53 = tpu.memref_slice %arg2[%dma_wait3A_52, %add3A_40] : memref<11x16384xi32, #tpu.memory_space<hbm>> -> memref<11x128xi32, #tpu.memory_space<hbm>>
        tpu.wait_dma2 semaphore(%run_scoped3A : memref<!tpu.dma_semaphore, #tpu.memory_space<semaphore_mem>>) src(%dma_wait3A_53 : memref<11x128xi32, #tpu.memory_space<hbm>>) dst(%arg5 : memref<11x128xi32, #tpu.memory_space<vmem>>)
        tpu.yield
      }) : () -> ()
      %scan3A_41 = arith.constant 0 : i32
      %scan3A_42 = arith.constant 0 : i32
      %scan3A_43 = arith.constant 11 : i32
      %scan3A_44 = arith.addi %scan3A_42, %scan3A_43 : i32
      %scan3A_45 = arith.constant 1 : i32
      scf.for %scan3A_47 = %scan3A_42 to %scan3A_44 step %scan3A_45  : i32 {
        %rem3A = arith.constant 2 : i32
        %rem3A_48 = arith.remsi %scan3A_47, %rem3A : i32
        %mul3A_49 = arith.constant 11 : i32
        %mul3A_50 = arith.muli %scan3A_35, %mul3A_49 : i32
        %add3A_51 = arith.addi %mul3A_50, %scan3A_47 : i32
        %ge3A = arith.constant 2 : i32
        %ge3A_52 = arith.cmpi sge, %add3A_51, %ge3A : i32
        %convert_element_type3A = arith.extui %ge3A_52 : i1 to i32
        %cond3A = arith.constant 0 : i32
        %cond3A_53 = arith.cmpi ne, %convert_element_type3A, %cond3A : i32
        scf.if %cond3A_53 {
          %dma_wait3A_481 = arith.constant 0 : i32
          %dma_wait3A_482 = arith.constant 0 : i32
          %dma_wait3A_483 = tpu.memref_slice %arg6[%rem3A_48, %dma_wait3A_481, %dma_wait3A_482] : memref<2x16x128xf32, #tpu.memory_space<vmem>> -> memref<1x16x128xf32, #tpu.memory_space<vmem>>
          %dma_wait3A_484 = tpu.memref_squeeze %dma_wait3A_483 : memref<1x16x128xf32, #tpu.memory_space<vmem>> -> memref<16x128xf32, #tpu.memory_space<vmem>>
          %dma_wait3A_485 = arith.constant 0 : i32
          %dma_wait3A_486 = arith.constant 0 : i32
          %dma_wait3A_487 = tpu.memref_slice %arg4[%dma_wait3A_485, %dma_wait3A_486] : memref<176x16384xf32, #tpu.memory_space<hbm>> -> memref<16x128xf32, #tpu.memory_space<hbm>>
          %dma_wait3A_488 = arith.constant 0 : i32
          %dma_wait3A_489 = arith.constant 0 : i32
          %dma_wait3A_490 = tpu.memref_slice %arg4[%dma_wait3A_488, %dma_wait3A_489] : memref<176x16384xf32, #tpu.memory_space<hbm>> -> memref<16x128xf32, #tpu.memory_space<hbm>>
          %dma_wait3A_491 = arith.constant 0 : i32
          %dma_wait3A_492 = arith.constant 0 : i32
          %dma_wait3A_493 = tpu.memref_slice %arg6[%rem3A_48, %dma_wait3A_491, %dma_wait3A_492] : memref<2x16x128xf32, #tpu.memory_space<vmem>> -> memref<1x16x128xf32, #tpu.memory_space<vmem>>
          %dma_wait3A_494 = tpu.memref_squeeze %dma_wait3A_493 : memref<1x16x128xf32, #tpu.memory_space<vmem>> -> memref<16x128xf32, #tpu.memory_space<vmem>>
          tpu.wait_dma2 semaphore(%arg8 : memref<!tpu.dma_semaphore, #tpu.memory_space<semaphore_mem>>) src(%dma_wait3A_494 : memref<16x128xf32, #tpu.memory_space<vmem>>) dst(%dma_wait3A_490 : memref<16x128xf32, #tpu.memory_space<hbm>>)
        } else {
        }
        %dma_start3A = arith.constant 0 : i32
        %dma_start3A_54 = arith.constant 0 : i32
        %dma_start3A_55 = arith.constant 0 : i32
        %dma_start3A_56 = tpu.memref_slice %arg6[%rem3A_48, %dma_start3A_54, %dma_start3A_55] : memref<2x16x128xf32, #tpu.memory_space<vmem>> -> memref<1x1x128xf32, #tpu.memory_space<vmem>>
        %dma_start3A_57 = tpu.memref_squeeze %dma_start3A_56 : memref<1x1x128xf32, #tpu.memory_space<vmem>> -> memref<128xf32, #tpu.memory_space<vmem>>
        %dma_start3A_58 = arith.constant 0 : i32
        %dma_start3A_59 = tpu.memref_slice %arg5[%scan3A_47, %dma_start3A_58] : memref<11x128xi32, #tpu.memory_space<vmem>> -> memref<1x128xi32, #tpu.memory_space<vmem>>
        %dma_start3A_60 = tpu.memref_squeeze %dma_start3A_59 : memref<1x128xi32, #tpu.memory_space<vmem>> -> memref<128xi32, #tpu.memory_space<vmem>>
        %dma_start3A_61 = arith.constant 0 : i32
        %dma_start3A_62 = tpu.memref_slice %arg3[%scan3A_47, %dma_start3A, %dma_start3A_61] : memref<11x16x100000xf32, #tpu.memory_space<hbm>> -> memref<1x1x100000xf32, #tpu.memory_space<hbm>>
        %dma_start3A_63 = tpu.memref_squeeze %dma_start3A_62 : memref<1x1x100000xf32, #tpu.memory_space<hbm>> -> memref<100000xf32, #tpu.memory_space<hbm>>
        %dma_start3A_64 = arith.constant 0 : i32
        %dma_start3A_65 = tpu.memref_slice %dma_start3A_63[%dma_start3A_64] : memref<100000xf32, #tpu.memory_space<hbm>> -> memref<100000xf32, #tpu.memory_space<hbm>>
        tpu.enqueue_indirect_dma source(%dma_start3A_65 : memref<100000xf32, #tpu.memory_space<hbm>>) target(%dma_start3A_57 : memref<128xf32, #tpu.memory_space<vmem>>) offsets(%dma_start3A_60 : memref<128xi32, #tpu.memory_space<vmem>>) semaphore(%arg7 : memref<!tpu.dma_semaphore, #tpu.memory_space<semaphore_mem>>)
        %dma_start3A_66 = arith.constant 1 : i32
        %dma_start3A_67 = arith.constant 1 : i32
        %dma_start3A_68 = arith.constant 0 : i32
        %dma_start3A_69 = tpu.memref_slice %arg6[%rem3A_48, %dma_start3A_67, %dma_start3A_68] : memref<2x16x128xf32, #tpu.memory_space<vmem>> -> memref<1x1x128xf32, #tpu.memory_space<vmem>>
        %dma_start3A_70 = tpu.memref_squeeze %dma_start3A_69 : memref<1x1x128xf32, #tpu.memory_space<vmem>> -> memref<128xf32, #tpu.memory_space<vmem>>
        %dma_start3A_71 = arith.constant 0 : i32
        %dma_start3A_72 = tpu.memref_slice %arg5[%scan3A_47, %dma_start3A_71] : memref<11x128xi32, #tpu.memory_space<vmem>> -> memref<1x128xi32, #tpu.memory_space<vmem>>
        %dma_start3A_73 = tpu.memref_squeeze %dma_start3A_72 : memref<1x128xi32, #tpu.memory_space<vmem>> -> memref<128xi32, #tpu.memory_space<vmem>>
        %dma_start3A_74 = arith.constant 0 : i32
        %dma_start3A_75 = tpu.memref_slice %arg3[%scan3A_47, %dma_start3A_66, %dma_start3A_74] : memref<11x16x100000xf32, #tpu.memory_space<hbm>> -> memref<1x1x100000xf32, #tpu.memory_space<hbm>>
        %dma_start3A_76 = tpu.memref_squeeze %dma_start3A_75 : memref<1x1x100000xf32, #tpu.memory_space<hbm>> -> memref<100000xf32, #tpu.memory_space<hbm>>
        %dma_start3A_77 = arith.constant 0 : i32
        %dma_start3A_78 = tpu.memref_slice %dma_start3A_76[%dma_start3A_77] : memref<100000xf32, #tpu.memory_space<hbm>> -> memref<100000xf32, #tpu.memory_space<hbm>>
        tpu.enqueue_indirect_dma source(%dma_start3A_78 : memref<100000xf32, #tpu.memory_space<hbm>>) target(%dma_start3A_70 : memref<128xf32, #tpu.memory_space<vmem>>) offsets(%dma_start3A_73 : memref<128xi32, #tpu.memory_space<vmem>>) semaphore(%arg7 : memref<!tpu.dma_semaphore, #tpu.memory_space<semaphore_mem>>)
        %dma_start3A_79 = arith.constant 2 : i32
        %dma_start3A_80 = arith.constant 2 : i32
        %dma_start3A_81 = arith.constant 0 : i32
        %dma_start3A_82 = tpu.memref_slice %arg6[%rem3A_48, %dma_start3A_80, %dma_start3A_81] : memref<2x16x128xf32, #tpu.memory_space<vmem>> -> memref<1x1x128xf32, #tpu.memory_space<vmem>>
        %dma_start3A_83 = tpu.memref_squeeze %dma_start3A_82 : memref<1x1x128xf32, #tpu.memory_space<vmem>> -> memref<128xf32, #tpu.memory_space<vmem>>
        %dma_start3A_84 = arith.constant 0 : i32
        %dma_start3A_85 = tpu.memref_slice %arg5[%scan3A_47, %dma_start3A_84] : memref<11x128xi32, #tpu.memory_space<vmem>> -> memref<1x128xi32, #tpu.memory_space<vmem>>
        %dma_start3A_86 = tpu.memref_squeeze %dma_start3A_85 : memref<1x128xi32, #tpu.memory_space<vmem>> -> memref<128xi32, #tpu.memory_space<vmem>>
        %dma_start3A_87 = arith.constant 0 : i32
        %dma_start3A_88 = tpu.memref_slice %arg3[%scan3A_47, %dma_start3A_79, %dma_start3A_87] : memref<11x16x100000xf32, #tpu.memory_space<hbm>> -> memref<1x1x100000xf32, #tpu.memory_space<hbm>>
        %dma_start3A_89 = tpu.memref_squeeze %dma_start3A_88 : memref<1x1x100000xf32, #tpu.memory_space<hbm>> -> memref<100000xf32, #tpu.memory_space<hbm>>
        %dma_start3A_90 = arith.constant 0 : i32
        %dma_start3A_91 = tpu.memref_slice %dma_start3A_89[%dma_start3A_90] : memref<100000xf32, #tpu.memory_space<hbm>> -> memref<100000xf32, #tpu.memory_space<hbm>>
        tpu.enqueue_indirect_dma source(%dma_start3A_91 : memref<100000xf32, #tpu.memory_space<hbm>>) target(%dma_start3A_83 : memref<128xf32, #tpu.memory_space<vmem>>) offsets(%dma_start3A_86 : memref<128xi32, #tpu.memory_space<vmem>>) semaphore(%arg7 : memref<!tpu.dma_semaphore, #tpu.memory_space<semaphore_mem>>)
        %dma_start3A_92 = arith.constant 3 : i32
        %dma_start3A_93 = arith.constant 3 : i32
        %dma_start3A_94 = arith.constant 0 : i32
        %dma_start3A_95 = tpu.memref_slice %arg6[%rem3A_48, %dma_start3A_93, %dma_start3A_94] : memref<2x16x128xf32, #tpu.memory_space<vmem>> -> memref<1x1x128xf32, #tpu.memory_space<vmem>>
        %dma_start3A_96 = tpu.memref_squeeze %dma_start3A_95 : memref<1x1x128xf32, #tpu.memory_space<vmem>> -> memref<128xf32, #tpu.memory_space<vmem>>
        %dma_start3A_97 = arith.constant 0 : i32
        %dma_start3A_98 = tpu.memref_slice %arg5[%scan3A_47, %dma_start3A_97] : memref<11x128xi32, #tpu.memory_space<vmem>> -> memref<1x128xi32, #tpu.memory_space<vmem>>
        %dma_start3A_99 = tpu.memref_squeeze %dma_start3A_98 : memref<1x128xi32, #tpu.memory_space<vmem>> -> memref<128xi32, #tpu.memory_space<vmem>>
        %dma_start3A_100 = arith.constant 0 : i32
        %dma_start3A_101 = tpu.memref_slice %arg3[%scan3A_47, %dma_start3A_92, %dma_start3A_100] : memref<11x16x100000xf32, #tpu.memory_space<hbm>> -> memref<1x1x100000xf32, #tpu.memory_space<hbm>>
        %dma_start3A_102 = tpu.memref_squeeze %dma_start3A_101 : memref<1x1x100000xf32, #tpu.memory_space<hbm>> -> memref<100000xf32, #tpu.memory_space<hbm>>
        %dma_start3A_103 = arith.constant 0 : i32
        %dma_start3A_104 = tpu.memref_slice %dma_start3A_102[%dma_start3A_103] : memref<100000xf32, #tpu.memory_space<hbm>> -> memref<100000xf32, #tpu.memory_space<hbm>>
        tpu.enqueue_indirect_dma source(%dma_start3A_104 : memref<100000xf32, #tpu.memory_space<hbm>>) target(%dma_start3A_96 : memref<128xf32, #tpu.memory_space<vmem>>) offsets(%dma_start3A_99 : memref<128xi32, #tpu.memory_space<vmem>>) semaphore(%arg7 : memref<!tpu.dma_semaphore, #tpu.memory_space<semaphore_mem>>)
        %dma_start3A_105 = arith.constant 4 : i32
        %dma_start3A_106 = arith.constant 4 : i32
        %dma_start3A_107 = arith.constant 0 : i32
        %dma_start3A_108 = tpu.memref_slice %arg6[%rem3A_48, %dma_start3A_106, %dma_start3A_107] : memref<2x16x128xf32, #tpu.memory_space<vmem>> -> memref<1x1x128xf32, #tpu.memory_space<vmem>>
        %dma_start3A_109 = tpu.memref_squeeze %dma_start3A_108 : memref<1x1x128xf32, #tpu.memory_space<vmem>> -> memref<128xf32, #tpu.memory_space<vmem>>
        %dma_start3A_110 = arith.constant 0 : i32
        %dma_start3A_111 = tpu.memref_slice %arg5[%scan3A_47, %dma_start3A_110] : memref<11x128xi32, #tpu.memory_space<vmem>> -> memref<1x128xi32, #tpu.memory_space<vmem>>
        %dma_start3A_112 = tpu.memref_squeeze %dma_start3A_111 : memref<1x128xi32, #tpu.memory_space<vmem>> -> memref<128xi32, #tpu.memory_space<vmem>>
        %dma_start3A_113 = arith.constant 0 : i32
        %dma_start3A_114 = tpu.memref_slice %arg3[%scan3A_47, %dma_start3A_105, %dma_start3A_113] : memref<11x16x100000xf32, #tpu.memory_space<hbm>> -> memref<1x1x100000xf32, #tpu.memory_space<hbm>>
        %dma_start3A_115 = tpu.memref_squeeze %dma_start3A_114 : memref<1x1x100000xf32, #tpu.memory_space<hbm>> -> memref<100000xf32, #tpu.memory_space<hbm>>
        %dma_start3A_116 = arith.constant 0 : i32
        %dma_start3A_117 = tpu.memref_slice %dma_start3A_115[%dma_start3A_116] : memref<100000xf32, #tpu.memory_space<hbm>> -> memref<100000xf32, #tpu.memory_space<hbm>>
        tpu.enqueue_indirect_dma source(%dma_start3A_117 : memref<100000xf32, #tpu.memory_space<hbm>>) target(%dma_start3A_109 : memref<128xf32, #tpu.memory_space<vmem>>) offsets(%dma_start3A_112 : memref<128xi32, #tpu.memory_space<vmem>>) semaphore(%arg7 : memref<!tpu.dma_semaphore, #tpu.memory_space<semaphore_mem>>)
        %dma_start3A_118 = arith.constant 5 : i32
        %dma_start3A_119 = arith.constant 5 : i32
        %dma_start3A_120 = arith.constant 0 : i32
        %dma_start3A_121 = tpu.memref_slice %arg6[%rem3A_48, %dma_start3A_119, %dma_start3A_120] : memref<2x16x128xf32, #tpu.memory_space<vmem>> -> memref<1x1x128xf32, #tpu.memory_space<vmem>>
        %dma_start3A_122 = tpu.memref_squeeze %dma_start3A_121 : memref<1x1x128xf32, #tpu.memory_space<vmem>> -> memref<128xf32, #tpu.memory_space<vmem>>
        %dma_start3A_123 = arith.constant 0 : i32
        %dma_start3A_124 = tpu.memref_slice %arg5[%scan3A_47, %dma_start3A_123] : memref<11x128xi32, #tpu.memory_space<vmem>> -> memref<1x128xi32, #tpu.memory_space<vmem>>
        %dma_start3A_125 = tpu.memref_squeeze %dma_start3A_124 : memref<1x128xi32, #tpu.memory_space<vmem>> -> memref<128xi32, #tpu.memory_space<vmem>>
        %dma_start3A_126 = arith.constant 0 : i32
        %dma_start3A_127 = tpu.memref_slice %arg3[%scan3A_47, %dma_start3A_118, %dma_start3A_126] : memref<11x16x100000xf32, #tpu.memory_space<hbm>> -> memref<1x1x100000xf32, #tpu.memory_space<hbm>>
        %dma_start3A_128 = tpu.memref_squeeze %dma_start3A_127 : memref<1x1x100000xf32, #tpu.memory_space<hbm>> -> memref<100000xf32, #tpu.memory_space<hbm>>
        %dma_start3A_129 = arith.constant 0 : i32
        %dma_start3A_130 = tpu.memref_slice %dma_start3A_128[%dma_start3A_129] : memref<100000xf32, #tpu.memory_space<hbm>> -> memref<100000xf32, #tpu.memory_space<hbm>>
        tpu.enqueue_indirect_dma source(%dma_start3A_130 : memref<100000xf32, #tpu.memory_space<hbm>>) target(%dma_start3A_122 : memref<128xf32, #tpu.memory_space<vmem>>) offsets(%dma_start3A_125 : memref<128xi32, #tpu.memory_space<vmem>>) semaphore(%arg7 : memref<!tpu.dma_semaphore, #tpu.memory_space<semaphore_mem>>)
        %dma_start3A_131 = arith.constant 6 : i32
        %dma_start3A_132 = arith.constant 6 : i32
        %dma_start3A_133 = arith.constant 0 : i32
        %dma_start3A_134 = tpu.memref_slice %arg6[%rem3A_48, %dma_start3A_132, %dma_start3A_133] : memref<2x16x128xf32, #tpu.memory_space<vmem>> -> memref<1x1x128xf32, #tpu.memory_space<vmem>>
        %dma_start3A_135 = tpu.memref_squeeze %dma_start3A_134 : memref<1x1x128xf32, #tpu.memory_space<vmem>> -> memref<128xf32, #tpu.memory_space<vmem>>
        %dma_start3A_136 = arith.constant 0 : i32
        %dma_start3A_137 = tpu.memref_slice %arg5[%scan3A_47, %dma_start3A_136] : memref<11x128xi32, #tpu.memory_space<vmem>> -> memref<1x128xi32, #tpu.memory_space<vmem>>
        %dma_start3A_138 = tpu.memref_squeeze %dma_start3A_137 : memref<1x128xi32, #tpu.memory_space<vmem>> -> memref<128xi32, #tpu.memory_space<vmem>>
        %dma_start3A_139 = arith.constant 0 : i32
        %dma_start3A_140 = tpu.memref_slice %arg3[%scan3A_47, %dma_start3A_131, %dma_start3A_139] : memref<11x16x100000xf32, #tpu.memory_space<hbm>> -> memref<1x1x100000xf32, #tpu.memory_space<hbm>>
        %dma_start3A_141 = tpu.memref_squeeze %dma_start3A_140 : memref<1x1x100000xf32, #tpu.memory_space<hbm>> -> memref<100000xf32, #tpu.memory_space<hbm>>
        %dma_start3A_142 = arith.constant 0 : i32
        %dma_start3A_143 = tpu.memref_slice %dma_start3A_141[%dma_start3A_142] : memref<100000xf32, #tpu.memory_space<hbm>> -> memref<100000xf32, #tpu.memory_space<hbm>>
        tpu.enqueue_indirect_dma source(%dma_start3A_143 : memref<100000xf32, #tpu.memory_space<hbm>>) target(%dma_start3A_135 : memref<128xf32, #tpu.memory_space<vmem>>) offsets(%dma_start3A_138 : memref<128xi32, #tpu.memory_space<vmem>>) semaphore(%arg7 : memref<!tpu.dma_semaphore, #tpu.memory_space<semaphore_mem>>)
        %dma_start3A_144 = arith.constant 7 : i32
        %dma_start3A_145 = arith.constant 7 : i32
        %dma_start3A_146 = arith.constant 0 : i32
        %dma_start3A_147 = tpu.memref_slice %arg6[%rem3A_48, %dma_start3A_145, %dma_start3A_146] : memref<2x16x128xf32, #tpu.memory_space<vmem>> -> memref<1x1x128xf32, #tpu.memory_space<vmem>>
        %dma_start3A_148 = tpu.memref_squeeze %dma_start3A_147 : memref<1x1x128xf32, #tpu.memory_space<vmem>> -> memref<128xf32, #tpu.memory_space<vmem>>
        %dma_start3A_149 = arith.constant 0 : i32
        %dma_start3A_150 = tpu.memref_slice %arg5[%scan3A_47, %dma_start3A_149] : memref<11x128xi32, #tpu.memory_space<vmem>> -> memref<1x128xi32, #tpu.memory_space<vmem>>
        %dma_start3A_151 = tpu.memref_squeeze %dma_start3A_150 : memref<1x128xi32, #tpu.memory_space<vmem>> -> memref<128xi32, #tpu.memory_space<vmem>>
        %dma_start3A_152 = arith.constant 0 : i32
        %dma_start3A_153 = tpu.memref_slice %arg3[%scan3A_47, %dma_start3A_144, %dma_start3A_152] : memref<11x16x100000xf32, #tpu.memory_space<hbm>> -> memref<1x1x100000xf32, #tpu.memory_space<hbm>>
        %dma_start3A_154 = tpu.memref_squeeze %dma_start3A_153 : memref<1x1x100000xf32, #tpu.memory_space<hbm>> -> memref<100000xf32, #tpu.memory_space<hbm>>
        %dma_start3A_155 = arith.constant 0 : i32
        %dma_start3A_156 = tpu.memref_slice %dma_start3A_154[%dma_start3A_155] : memref<100000xf32, #tpu.memory_space<hbm>> -> memref<100000xf32, #tpu.memory_space<hbm>>
        tpu.enqueue_indirect_dma source(%dma_start3A_156 : memref<100000xf32, #tpu.memory_space<hbm>>) target(%dma_start3A_148 : memref<128xf32, #tpu.memory_space<vmem>>) offsets(%dma_start3A_151 : memref<128xi32, #tpu.memory_space<vmem>>) semaphore(%arg7 : memref<!tpu.dma_semaphore, #tpu.memory_space<semaphore_mem>>)
        %dma_start3A_157 = arith.constant 8 : i32
        %dma_start3A_158 = arith.constant 8 : i32
        %dma_start3A_159 = arith.constant 0 : i32
        %dma_start3A_160 = tpu.memref_slice %arg6[%rem3A_48, %dma_start3A_158, %dma_start3A_159] : memref<2x16x128xf32, #tpu.memory_space<vmem>> -> memref<1x1x128xf32, #tpu.memory_space<vmem>>
        %dma_start3A_161 = tpu.memref_squeeze %dma_start3A_160 : memref<1x1x128xf32, #tpu.memory_space<vmem>> -> memref<128xf32, #tpu.memory_space<vmem>>
        %dma_start3A_162 = arith.constant 0 : i32
        %dma_start3A_163 = tpu.memref_slice %arg5[%scan3A_47, %dma_start3A_162] : memref<11x128xi32, #tpu.memory_space<vmem>> -> memref<1x128xi32, #tpu.memory_space<vmem>>
        %dma_start3A_164 = tpu.memref_squeeze %dma_start3A_163 : memref<1x128xi32, #tpu.memory_space<vmem>> -> memref<128xi32, #tpu.memory_space<vmem>>
        %dma_start3A_165 = arith.constant 0 : i32
        %dma_start3A_166 = tpu.memref_slice %arg3[%scan3A_47, %dma_start3A_157, %dma_start3A_165] : memref<11x16x100000xf32, #tpu.memory_space<hbm>> -> memref<1x1x100000xf32, #tpu.memory_space<hbm>>
        %dma_start3A_167 = tpu.memref_squeeze %dma_start3A_166 : memref<1x1x100000xf32, #tpu.memory_space<hbm>> -> memref<100000xf32, #tpu.memory_space<hbm>>
        %dma_start3A_168 = arith.constant 0 : i32
        %dma_start3A_169 = tpu.memref_slice %dma_start3A_167[%dma_start3A_168] : memref<100000xf32, #tpu.memory_space<hbm>> -> memref<100000xf32, #tpu.memory_space<hbm>>
        tpu.enqueue_indirect_dma source(%dma_start3A_169 : memref<100000xf32, #tpu.memory_space<hbm>>) target(%dma_start3A_161 : memref<128xf32, #tpu.memory_space<vmem>>) offsets(%dma_start3A_164 : memref<128xi32, #tpu.memory_space<vmem>>) semaphore(%arg7 : memref<!tpu.dma_semaphore, #tpu.memory_space<semaphore_mem>>)
        %dma_start3A_170 = arith.constant 9 : i32
        %dma_start3A_171 = arith.constant 9 : i32
        %dma_start3A_172 = arith.constant 0 : i32
        %dma_start3A_173 = tpu.memref_slice %arg6[%rem3A_48, %dma_start3A_171, %dma_start3A_172] : memref<2x16x128xf32, #tpu.memory_space<vmem>> -> memref<1x1x128xf32, #tpu.memory_space<vmem>>
        %dma_start3A_174 = tpu.memref_squeeze %dma_start3A_173 : memref<1x1x128xf32, #tpu.memory_space<vmem>> -> memref<128xf32, #tpu.memory_space<vmem>>
        %dma_start3A_175 = arith.constant 0 : i32
        %dma_start3A_176 = tpu.memref_slice %arg5[%scan3A_47, %dma_start3A_175] : memref<11x128xi32, #tpu.memory_space<vmem>> -> memref<1x128xi32, #tpu.memory_space<vmem>>
        %dma_start3A_177 = tpu.memref_squeeze %dma_start3A_176 : memref<1x128xi32, #tpu.memory_space<vmem>> -> memref<128xi32, #tpu.memory_space<vmem>>
        %dma_start3A_178 = arith.constant 0 : i32
        %dma_start3A_179 = tpu.memref_slice %arg3[%scan3A_47, %dma_start3A_170, %dma_start3A_178] : memref<11x16x100000xf32, #tpu.memory_space<hbm>> -> memref<1x1x100000xf32, #tpu.memory_space<hbm>>
        %dma_start3A_180 = tpu.memref_squeeze %dma_start3A_179 : memref<1x1x100000xf32, #tpu.memory_space<hbm>> -> memref<100000xf32, #tpu.memory_space<hbm>>
        %dma_start3A_181 = arith.constant 0 : i32
        %dma_start3A_182 = tpu.memref_slice %dma_start3A_180[%dma_start3A_181] : memref<100000xf32, #tpu.memory_space<hbm>> -> memref<100000xf32, #tpu.memory_space<hbm>>
        tpu.enqueue_indirect_dma source(%dma_start3A_182 : memref<100000xf32, #tpu.memory_space<hbm>>) target(%dma_start3A_174 : memref<128xf32, #tpu.memory_space<vmem>>) offsets(%dma_start3A_177 : memref<128xi32, #tpu.memory_space<vmem>>) semaphore(%arg7 : memref<!tpu.dma_semaphore, #tpu.memory_space<semaphore_mem>>)
        %dma_start3A_183 = arith.constant 10 : i32
        %dma_start3A_184 = arith.constant 10 : i32
        %dma_start3A_185 = arith.constant 0 : i32
        %dma_start3A_186 = tpu.memref_slice %arg6[%rem3A_48, %dma_start3A_184, %dma_start3A_185] : memref<2x16x128xf32, #tpu.memory_space<vmem>> -> memref<1x1x128xf32, #tpu.memory_space<vmem>>
        %dma_start3A_187 = tpu.memref_squeeze %dma_start3A_186 : memref<1x1x128xf32, #tpu.memory_space<vmem>> -> memref<128xf32, #tpu.memory_space<vmem>>
        %dma_start3A_188 = arith.constant 0 : i32
        %dma_start3A_189 = tpu.memref_slice %arg5[%scan3A_47, %dma_start3A_188] : memref<11x128xi32, #tpu.memory_space<vmem>> -> memref<1x128xi32, #tpu.memory_space<vmem>>
        %dma_start3A_190 = tpu.memref_squeeze %dma_start3A_189 : memref<1x128xi32, #tpu.memory_space<vmem>> -> memref<128xi32, #tpu.memory_space<vmem>>
        %dma_start3A_191 = arith.constant 0 : i32
        %dma_start3A_192 = tpu.memref_slice %arg3[%scan3A_47, %dma_start3A_183, %dma_start3A_191] : memref<11x16x100000xf32, #tpu.memory_space<hbm>> -> memref<1x1x100000xf32, #tpu.memory_space<hbm>>
        %dma_start3A_193 = tpu.memref_squeeze %dma_start3A_192 : memref<1x1x100000xf32, #tpu.memory_space<hbm>> -> memref<100000xf32, #tpu.memory_space<hbm>>
        %dma_start3A_194 = arith.constant 0 : i32
        %dma_start3A_195 = tpu.memref_slice %dma_start3A_193[%dma_start3A_194] : memref<100000xf32, #tpu.memory_space<hbm>> -> memref<100000xf32, #tpu.memory_space<hbm>>
        tpu.enqueue_indirect_dma source(%dma_start3A_195 : memref<100000xf32, #tpu.memory_space<hbm>>) target(%dma_start3A_187 : memref<128xf32, #tpu.memory_space<vmem>>) offsets(%dma_start3A_190 : memref<128xi32, #tpu.memory_space<vmem>>) semaphore(%arg7 : memref<!tpu.dma_semaphore, #tpu.memory_space<semaphore_mem>>)
        %dma_start3A_196 = arith.constant 11 : i32
        %dma_start3A_197 = arith.constant 11 : i32
        %dma_start3A_198 = arith.constant 0 : i32
        %dma_start3A_199 = tpu.memref_slice %arg6[%rem3A_48, %dma_start3A_197, %dma_start3A_198] : memref<2x16x128xf32, #tpu.memory_space<vmem>> -> memref<1x1x128xf32, #tpu.memory_space<vmem>>
        %dma_start3A_200 = tpu.memref_squeeze %dma_start3A_199 : memref<1x1x128xf32, #tpu.memory_space<vmem>> -> memref<128xf32, #tpu.memory_space<vmem>>
        %dma_start3A_201 = arith.constant 0 : i32
        %dma_start3A_202 = tpu.memref_slice %arg5[%scan3A_47, %dma_start3A_201] : memref<11x128xi32, #tpu.memory_space<vmem>> -> memref<1x128xi32, #tpu.memory_space<vmem>>
        %dma_start3A_203 = tpu.memref_squeeze %dma_start3A_202 : memref<1x128xi32, #tpu.memory_space<vmem>> -> memref<128xi32, #tpu.memory_space<vmem>>
        %dma_start3A_204 = arith.constant 0 : i32
        %dma_start3A_205 = tpu.memref_slice %arg3[%scan3A_47, %dma_start3A_196, %dma_start3A_204] : memref<11x16x100000xf32, #tpu.memory_space<hbm>> -> memref<1x1x100000xf32, #tpu.memory_space<hbm>>
        %dma_start3A_206 = tpu.memref_squeeze %dma_start3A_205 : memref<1x1x100000xf32, #tpu.memory_space<hbm>> -> memref<100000xf32, #tpu.memory_space<hbm>>
        %dma_start3A_207 = arith.constant 0 : i32
        %dma_start3A_208 = tpu.memref_slice %dma_start3A_206[%dma_start3A_207] : memref<100000xf32, #tpu.memory_space<hbm>> -> memref<100000xf32, #tpu.memory_space<hbm>>
        tpu.enqueue_indirect_dma source(%dma_start3A_208 : memref<100000xf32, #tpu.memory_space<hbm>>) target(%dma_start3A_200 : memref<128xf32, #tpu.memory_space<vmem>>) offsets(%dma_start3A_203 : memref<128xi32, #tpu.memory_space<vmem>>) semaphore(%arg7 : memref<!tpu.dma_semaphore, #tpu.memory_space<semaphore_mem>>)
        %dma_start3A_209 = arith.constant 12 : i32
        %dma_start3A_210 = arith.constant 12 : i32
        %dma_start3A_211 = arith.constant 0 : i32
        %dma_start3A_212 = tpu.memref_slice %arg6[%rem3A_48, %dma_start3A_210, %dma_start3A_211] : memref<2x16x128xf32, #tpu.memory_space<vmem>> -> memref<1x1x128xf32, #tpu.memory_space<vmem>>
        %dma_start3A_213 = tpu.memref_squeeze %dma_start3A_212 : memref<1x1x128xf32, #tpu.memory_space<vmem>> -> memref<128xf32, #tpu.memory_space<vmem>>
        %dma_start3A_214 = arith.constant 0 : i32
        %dma_start3A_215 = tpu.memref_slice %arg5[%scan3A_47, %dma_start3A_214] : memref<11x128xi32, #tpu.memory_space<vmem>> -> memref<1x128xi32, #tpu.memory_space<vmem>>
        %dma_start3A_216 = tpu.memref_squeeze %dma_start3A_215 : memref<1x128xi32, #tpu.memory_space<vmem>> -> memref<128xi32, #tpu.memory_space<vmem>>
        %dma_start3A_217 = arith.constant 0 : i32
        %dma_start3A_218 = tpu.memref_slice %arg3[%scan3A_47, %dma_start3A_209, %dma_start3A_217] : memref<11x16x100000xf32, #tpu.memory_space<hbm>> -> memref<1x1x100000xf32, #tpu.memory_space<hbm>>
        %dma_start3A_219 = tpu.memref_squeeze %dma_start3A_218 : memref<1x1x100000xf32, #tpu.memory_space<hbm>> -> memref<100000xf32, #tpu.memory_space<hbm>>
        %dma_start3A_220 = arith.constant 0 : i32
        %dma_start3A_221 = tpu.memref_slice %dma_start3A_219[%dma_start3A_220] : memref<100000xf32, #tpu.memory_space<hbm>> -> memref<100000xf32, #tpu.memory_space<hbm>>
        tpu.enqueue_indirect_dma source(%dma_start3A_221 : memref<100000xf32, #tpu.memory_space<hbm>>) target(%dma_start3A_213 : memref<128xf32, #tpu.memory_space<vmem>>) offsets(%dma_start3A_216 : memref<128xi32, #tpu.memory_space<vmem>>) semaphore(%arg7 : memref<!tpu.dma_semaphore, #tpu.memory_space<semaphore_mem>>)
        %dma_start3A_222 = arith.constant 13 : i32
        %dma_start3A_223 = arith.constant 13 : i32
        %dma_start3A_224 = arith.constant 0 : i32
        %dma_start3A_225 = tpu.memref_slice %arg6[%rem3A_48, %dma_start3A_223, %dma_start3A_224] : memref<2x16x128xf32, #tpu.memory_space<vmem>> -> memref<1x1x128xf32, #tpu.memory_space<vmem>>
        %dma_start3A_226 = tpu.memref_squeeze %dma_start3A_225 : memref<1x1x128xf32, #tpu.memory_space<vmem>> -> memref<128xf32, #tpu.memory_space<vmem>>
        %dma_start3A_227 = arith.constant 0 : i32
        %dma_start3A_228 = tpu.memref_slice %arg5[%scan3A_47, %dma_start3A_227] : memref<11x128xi32, #tpu.memory_space<vmem>> -> memref<1x128xi32, #tpu.memory_space<vmem>>
        %dma_start3A_229 = tpu.memref_squeeze %dma_start3A_228 : memref<1x128xi32, #tpu.memory_space<vmem>> -> memref<128xi32, #tpu.memory_space<vmem>>
        %dma_start3A_230 = arith.constant 0 : i32
        %dma_start3A_231 = tpu.memref_slice %arg3[%scan3A_47, %dma_start3A_222, %dma_start3A_230] : memref<11x16x100000xf32, #tpu.memory_space<hbm>> -> memref<1x1x100000xf32, #tpu.memory_space<hbm>>
        %dma_start3A_232 = tpu.memref_squeeze %dma_start3A_231 : memref<1x1x100000xf32, #tpu.memory_space<hbm>> -> memref<100000xf32, #tpu.memory_space<hbm>>
        %dma_start3A_233 = arith.constant 0 : i32
        %dma_start3A_234 = tpu.memref_slice %dma_start3A_232[%dma_start3A_233] : memref<100000xf32, #tpu.memory_space<hbm>> -> memref<100000xf32, #tpu.memory_space<hbm>>
        tpu.enqueue_indirect_dma source(%dma_start3A_234 : memref<100000xf32, #tpu.memory_space<hbm>>) target(%dma_start3A_226 : memref<128xf32, #tpu.memory_space<vmem>>) offsets(%dma_start3A_229 : memref<128xi32, #tpu.memory_space<vmem>>) semaphore(%arg7 : memref<!tpu.dma_semaphore, #tpu.memory_space<semaphore_mem>>)
        %dma_start3A_235 = arith.constant 14 : i32
        %dma_start3A_236 = arith.constant 14 : i32
        %dma_start3A_237 = arith.constant 0 : i32
        %dma_start3A_238 = tpu.memref_slice %arg6[%rem3A_48, %dma_start3A_236, %dma_start3A_237] : memref<2x16x128xf32, #tpu.memory_space<vmem>> -> memref<1x1x128xf32, #tpu.memory_space<vmem>>
        %dma_start3A_239 = tpu.memref_squeeze %dma_start3A_238 : memref<1x1x128xf32, #tpu.memory_space<vmem>> -> memref<128xf32, #tpu.memory_space<vmem>>
        %dma_start3A_240 = arith.constant 0 : i32
        %dma_start3A_241 = tpu.memref_slice %arg5[%scan3A_47, %dma_start3A_240] : memref<11x128xi32, #tpu.memory_space<vmem>> -> memref<1x128xi32, #tpu.memory_space<vmem>>
        %dma_start3A_242 = tpu.memref_squeeze %dma_start3A_241 : memref<1x128xi32, #tpu.memory_space<vmem>> -> memref<128xi32, #tpu.memory_space<vmem>>
        %dma_start3A_243 = arith.constant 0 : i32
        %dma_start3A_244 = tpu.memref_slice %arg3[%scan3A_47, %dma_start3A_235, %dma_start3A_243] : memref<11x16x100000xf32, #tpu.memory_space<hbm>> -> memref<1x1x100000xf32, #tpu.memory_space<hbm>>
        %dma_start3A_245 = tpu.memref_squeeze %dma_start3A_244 : memref<1x1x100000xf32, #tpu.memory_space<hbm>> -> memref<100000xf32, #tpu.memory_space<hbm>>
        %dma_start3A_246 = arith.constant 0 : i32
        %dma_start3A_247 = tpu.memref_slice %dma_start3A_245[%dma_start3A_246] : memref<100000xf32, #tpu.memory_space<hbm>> -> memref<100000xf32, #tpu.memory_space<hbm>>
        tpu.enqueue_indirect_dma source(%dma_start3A_247 : memref<100000xf32, #tpu.memory_space<hbm>>) target(%dma_start3A_239 : memref<128xf32, #tpu.memory_space<vmem>>) offsets(%dma_start3A_242 : memref<128xi32, #tpu.memory_space<vmem>>) semaphore(%arg7 : memref<!tpu.dma_semaphore, #tpu.memory_space<semaphore_mem>>)
        %dma_start3A_248 = arith.constant 15 : i32
        %dma_start3A_249 = arith.constant 15 : i32
        %dma_start3A_250 = arith.constant 0 : i32
        %dma_start3A_251 = tpu.memref_slice %arg6[%rem3A_48, %dma_start3A_249, %dma_start3A_250] : memref<2x16x128xf32, #tpu.memory_space<vmem>> -> memref<1x1x128xf32, #tpu.memory_space<vmem>>
        %dma_start3A_252 = tpu.memref_squeeze %dma_start3A_251 : memref<1x1x128xf32, #tpu.memory_space<vmem>> -> memref<128xf32, #tpu.memory_space<vmem>>
        %dma_start3A_253 = arith.constant 0 : i32
        %dma_start3A_254 = tpu.memref_slice %arg5[%scan3A_47, %dma_start3A_253] : memref<11x128xi32, #tpu.memory_space<vmem>> -> memref<1x128xi32, #tpu.memory_space<vmem>>
        %dma_start3A_255 = tpu.memref_squeeze %dma_start3A_254 : memref<1x128xi32, #tpu.memory_space<vmem>> -> memref<128xi32, #tpu.memory_space<vmem>>
        %dma_start3A_256 = arith.constant 0 : i32
        %dma_start3A_257 = tpu.memref_slice %arg3[%scan3A_47, %dma_start3A_248, %dma_start3A_256] : memref<11x16x100000xf32, #tpu.memory_space<hbm>> -> memref<1x1x100000xf32, #tpu.memory_space<hbm>>
        %dma_start3A_258 = tpu.memref_squeeze %dma_start3A_257 : memref<1x1x100000xf32, #tpu.memory_space<hbm>> -> memref<100000xf32, #tpu.memory_space<hbm>>
        %dma_start3A_259 = arith.constant 0 : i32
        %dma_start3A_260 = tpu.memref_slice %dma_start3A_258[%dma_start3A_259] : memref<100000xf32, #tpu.memory_space<hbm>> -> memref<100000xf32, #tpu.memory_space<hbm>>
        tpu.enqueue_indirect_dma source(%dma_start3A_260 : memref<100000xf32, #tpu.memory_space<hbm>>) target(%dma_start3A_252 : memref<128xf32, #tpu.memory_space<vmem>>) offsets(%dma_start3A_255 : memref<128xi32, #tpu.memory_space<vmem>>) semaphore(%arg7 : memref<!tpu.dma_semaphore, #tpu.memory_space<semaphore_mem>>)
        %dma_wait3A_261 = arith.constant 0 : i32
        %dma_wait3A_262 = arith.constant 0 : i32
        %dma_wait3A_263 = arith.constant 0 : i32
        %dma_wait3A_264 = tpu.memref_slice %arg6[%rem3A_48, %dma_wait3A_262, %dma_wait3A_263] : memref<2x16x128xf32, #tpu.memory_space<vmem>> -> memref<1x1x128xf32, #tpu.memory_space<vmem>>
        %dma_wait3A_265 = tpu.memref_squeeze %dma_wait3A_264 : memref<1x1x128xf32, #tpu.memory_space<vmem>> -> memref<128xf32, #tpu.memory_space<vmem>>
        %dma_wait3A_266 = arith.constant 0 : i32
        %dma_wait3A_267 = tpu.memref_slice %arg5[%scan3A_47, %dma_wait3A_266] : memref<11x128xi32, #tpu.memory_space<vmem>> -> memref<1x128xi32, #tpu.memory_space<vmem>>
        %dma_wait3A_268 = tpu.memref_squeeze %dma_wait3A_267 : memref<1x128xi32, #tpu.memory_space<vmem>> -> memref<128xi32, #tpu.memory_space<vmem>>
        %dma_wait3A_269 = arith.constant 0 : i32
        %dma_wait3A_270 = tpu.memref_slice %arg3[%scan3A_47, %dma_wait3A_261, %dma_wait3A_269] : memref<11x16x100000xf32, #tpu.memory_space<hbm>> -> memref<1x1x100000xf32, #tpu.memory_space<hbm>>
        %dma_wait3A_271 = tpu.memref_squeeze %dma_wait3A_270 : memref<1x1x100000xf32, #tpu.memory_space<hbm>> -> memref<100000xf32, #tpu.memory_space<hbm>>
        %dma_wait3A_272 = arith.constant 0 : i32
        %dma_wait3A_273 = tpu.memref_slice %dma_wait3A_271[%dma_wait3A_272] : memref<100000xf32, #tpu.memory_space<hbm>> -> memref<100000xf32, #tpu.memory_space<hbm>>
        tpu.wait_indirect_dma semaphore(%arg7 : memref<!tpu.dma_semaphore, #tpu.memory_space<semaphore_mem>>) src(%dma_wait3A_273 : memref<100000xf32, #tpu.memory_space<hbm>>) dst(%dma_wait3A_265 : memref<128xf32, #tpu.memory_space<vmem>>)
        %dma_wait3A_274 = arith.constant 1 : i32
        %dma_wait3A_275 = arith.constant 1 : i32
        %dma_wait3A_276 = arith.constant 0 : i32
        %dma_wait3A_277 = tpu.memref_slice %arg6[%rem3A_48, %dma_wait3A_275, %dma_wait3A_276] : memref<2x16x128xf32, #tpu.memory_space<vmem>> -> memref<1x1x128xf32, #tpu.memory_space<vmem>>
        %dma_wait3A_278 = tpu.memref_squeeze %dma_wait3A_277 : memref<1x1x128xf32, #tpu.memory_space<vmem>> -> memref<128xf32, #tpu.memory_space<vmem>>
        %dma_wait3A_279 = arith.constant 0 : i32
        %dma_wait3A_280 = tpu.memref_slice %arg5[%scan3A_47, %dma_wait3A_279] : memref<11x128xi32, #tpu.memory_space<vmem>> -> memref<1x128xi32, #tpu.memory_space<vmem>>
        %dma_wait3A_281 = tpu.memref_squeeze %dma_wait3A_280 : memref<1x128xi32, #tpu.memory_space<vmem>> -> memref<128xi32, #tpu.memory_space<vmem>>
        %dma_wait3A_282 = arith.constant 0 : i32
        %dma_wait3A_283 = tpu.memref_slice %arg3[%scan3A_47, %dma_wait3A_274, %dma_wait3A_282] : memref<11x16x100000xf32, #tpu.memory_space<hbm>> -> memref<1x1x100000xf32, #tpu.memory_space<hbm>>
        %dma_wait3A_284 = tpu.memref_squeeze %dma_wait3A_283 : memref<1x1x100000xf32, #tpu.memory_space<hbm>> -> memref<100000xf32, #tpu.memory_space<hbm>>
        %dma_wait3A_285 = arith.constant 0 : i32
        %dma_wait3A_286 = tpu.memref_slice %dma_wait3A_284[%dma_wait3A_285] : memref<100000xf32, #tpu.memory_space<hbm>> -> memref<100000xf32, #tpu.memory_space<hbm>>
        tpu.wait_indirect_dma semaphore(%arg7 : memref<!tpu.dma_semaphore, #tpu.memory_space<semaphore_mem>>) src(%dma_wait3A_286 : memref<100000xf32, #tpu.memory_space<hbm>>) dst(%dma_wait3A_278 : memref<128xf32, #tpu.memory_space<vmem>>)
        %dma_wait3A_287 = arith.constant 2 : i32
        %dma_wait3A_288 = arith.constant 2 : i32
        %dma_wait3A_289 = arith.constant 0 : i32
        %dma_wait3A_290 = tpu.memref_slice %arg6[%rem3A_48, %dma_wait3A_288, %dma_wait3A_289] : memref<2x16x128xf32, #tpu.memory_space<vmem>> -> memref<1x1x128xf32, #tpu.memory_space<vmem>>
        %dma_wait3A_291 = tpu.memref_squeeze %dma_wait3A_290 : memref<1x1x128xf32, #tpu.memory_space<vmem>> -> memref<128xf32, #tpu.memory_space<vmem>>
        %dma_wait3A_292 = arith.constant 0 : i32
        %dma_wait3A_293 = tpu.memref_slice %arg5[%scan3A_47, %dma_wait3A_292] : memref<11x128xi32, #tpu.memory_space<vmem>> -> memref<1x128xi32, #tpu.memory_space<vmem>>
        %dma_wait3A_294 = tpu.memref_squeeze %dma_wait3A_293 : memref<1x128xi32, #tpu.memory_space<vmem>> -> memref<128xi32, #tpu.memory_space<vmem>>
        %dma_wait3A_295 = arith.constant 0 : i32
        %dma_wait3A_296 = tpu.memref_slice %arg3[%scan3A_47, %dma_wait3A_287, %dma_wait3A_295] : memref<11x16x100000xf32, #tpu.memory_space<hbm>> -> memref<1x1x100000xf32, #tpu.memory_space<hbm>>
        %dma_wait3A_297 = tpu.memref_squeeze %dma_wait3A_296 : memref<1x1x100000xf32, #tpu.memory_space<hbm>> -> memref<100000xf32, #tpu.memory_space<hbm>>
        %dma_wait3A_298 = arith.constant 0 : i32
        %dma_wait3A_299 = tpu.memref_slice %dma_wait3A_297[%dma_wait3A_298] : memref<100000xf32, #tpu.memory_space<hbm>> -> memref<100000xf32, #tpu.memory_space<hbm>>
        tpu.wait_indirect_dma semaphore(%arg7 : memref<!tpu.dma_semaphore, #tpu.memory_space<semaphore_mem>>) src(%dma_wait3A_299 : memref<100000xf32, #tpu.memory_space<hbm>>) dst(%dma_wait3A_291 : memref<128xf32, #tpu.memory_space<vmem>>)
        %dma_wait3A_300 = arith.constant 3 : i32
        %dma_wait3A_301 = arith.constant 3 : i32
        %dma_wait3A_302 = arith.constant 0 : i32
        %dma_wait3A_303 = tpu.memref_slice %arg6[%rem3A_48, %dma_wait3A_301, %dma_wait3A_302] : memref<2x16x128xf32, #tpu.memory_space<vmem>> -> memref<1x1x128xf32, #tpu.memory_space<vmem>>
        %dma_wait3A_304 = tpu.memref_squeeze %dma_wait3A_303 : memref<1x1x128xf32, #tpu.memory_space<vmem>> -> memref<128xf32, #tpu.memory_space<vmem>>
        %dma_wait3A_305 = arith.constant 0 : i32
        %dma_wait3A_306 = tpu.memref_slice %arg5[%scan3A_47, %dma_wait3A_305] : memref<11x128xi32, #tpu.memory_space<vmem>> -> memref<1x128xi32, #tpu.memory_space<vmem>>
        %dma_wait3A_307 = tpu.memref_squeeze %dma_wait3A_306 : memref<1x128xi32, #tpu.memory_space<vmem>> -> memref<128xi32, #tpu.memory_space<vmem>>
        %dma_wait3A_308 = arith.constant 0 : i32
        %dma_wait3A_309 = tpu.memref_slice %arg3[%scan3A_47, %dma_wait3A_300, %dma_wait3A_308] : memref<11x16x100000xf32, #tpu.memory_space<hbm>> -> memref<1x1x100000xf32, #tpu.memory_space<hbm>>
        %dma_wait3A_310 = tpu.memref_squeeze %dma_wait3A_309 : memref<1x1x100000xf32, #tpu.memory_space<hbm>> -> memref<100000xf32, #tpu.memory_space<hbm>>
        %dma_wait3A_311 = arith.constant 0 : i32
        %dma_wait3A_312 = tpu.memref_slice %dma_wait3A_310[%dma_wait3A_311] : memref<100000xf32, #tpu.memory_space<hbm>> -> memref<100000xf32, #tpu.memory_space<hbm>>
        tpu.wait_indirect_dma semaphore(%arg7 : memref<!tpu.dma_semaphore, #tpu.memory_space<semaphore_mem>>) src(%dma_wait3A_312 : memref<100000xf32, #tpu.memory_space<hbm>>) dst(%dma_wait3A_304 : memref<128xf32, #tpu.memory_space<vmem>>)
        %dma_wait3A_313 = arith.constant 4 : i32
        %dma_wait3A_314 = arith.constant 4 : i32
        %dma_wait3A_315 = arith.constant 0 : i32
        %dma_wait3A_316 = tpu.memref_slice %arg6[%rem3A_48, %dma_wait3A_314, %dma_wait3A_315] : memref<2x16x128xf32, #tpu.memory_space<vmem>> -> memref<1x1x128xf32, #tpu.memory_space<vmem>>
        %dma_wait3A_317 = tpu.memref_squeeze %dma_wait3A_316 : memref<1x1x128xf32, #tpu.memory_space<vmem>> -> memref<128xf32, #tpu.memory_space<vmem>>
        %dma_wait3A_318 = arith.constant 0 : i32
        %dma_wait3A_319 = tpu.memref_slice %arg5[%scan3A_47, %dma_wait3A_318] : memref<11x128xi32, #tpu.memory_space<vmem>> -> memref<1x128xi32, #tpu.memory_space<vmem>>
        %dma_wait3A_320 = tpu.memref_squeeze %dma_wait3A_319 : memref<1x128xi32, #tpu.memory_space<vmem>> -> memref<128xi32, #tpu.memory_space<vmem>>
        %dma_wait3A_321 = arith.constant 0 : i32
        %dma_wait3A_322 = tpu.memref_slice %arg3[%scan3A_47, %dma_wait3A_313, %dma_wait3A_321] : memref<11x16x100000xf32, #tpu.memory_space<hbm>> -> memref<1x1x100000xf32, #tpu.memory_space<hbm>>
        %dma_wait3A_323 = tpu.memref_squeeze %dma_wait3A_322 : memref<1x1x100000xf32, #tpu.memory_space<hbm>> -> memref<100000xf32, #tpu.memory_space<hbm>>
        %dma_wait3A_324 = arith.constant 0 : i32
        %dma_wait3A_325 = tpu.memref_slice %dma_wait3A_323[%dma_wait3A_324] : memref<100000xf32, #tpu.memory_space<hbm>> -> memref<100000xf32, #tpu.memory_space<hbm>>
        tpu.wait_indirect_dma semaphore(%arg7 : memref<!tpu.dma_semaphore, #tpu.memory_space<semaphore_mem>>) src(%dma_wait3A_325 : memref<100000xf32, #tpu.memory_space<hbm>>) dst(%dma_wait3A_317 : memref<128xf32, #tpu.memory_space<vmem>>)
        %dma_wait3A_326 = arith.constant 5 : i32
        %dma_wait3A_327 = arith.constant 5 : i32
        %dma_wait3A_328 = arith.constant 0 : i32
        %dma_wait3A_329 = tpu.memref_slice %arg6[%rem3A_48, %dma_wait3A_327, %dma_wait3A_328] : memref<2x16x128xf32, #tpu.memory_space<vmem>> -> memref<1x1x128xf32, #tpu.memory_space<vmem>>
        %dma_wait3A_330 = tpu.memref_squeeze %dma_wait3A_329 : memref<1x1x128xf32, #tpu.memory_space<vmem>> -> memref<128xf32, #tpu.memory_space<vmem>>
        %dma_wait3A_331 = arith.constant 0 : i32
        %dma_wait3A_332 = tpu.memref_slice %arg5[%scan3A_47, %dma_wait3A_331] : memref<11x128xi32, #tpu.memory_space<vmem>> -> memref<1x128xi32, #tpu.memory_space<vmem>>
        %dma_wait3A_333 = tpu.memref_squeeze %dma_wait3A_332 : memref<1x128xi32, #tpu.memory_space<vmem>> -> memref<128xi32, #tpu.memory_space<vmem>>
        %dma_wait3A_334 = arith.constant 0 : i32
        %dma_wait3A_335 = tpu.memref_slice %arg3[%scan3A_47, %dma_wait3A_326, %dma_wait3A_334] : memref<11x16x100000xf32, #tpu.memory_space<hbm>> -> memref<1x1x100000xf32, #tpu.memory_space<hbm>>
        %dma_wait3A_336 = tpu.memref_squeeze %dma_wait3A_335 : memref<1x1x100000xf32, #tpu.memory_space<hbm>> -> memref<100000xf32, #tpu.memory_space<hbm>>
        %dma_wait3A_337 = arith.constant 0 : i32
        %dma_wait3A_338 = tpu.memref_slice %dma_wait3A_336[%dma_wait3A_337] : memref<100000xf32, #tpu.memory_space<hbm>> -> memref<100000xf32, #tpu.memory_space<hbm>>
        tpu.wait_indirect_dma semaphore(%arg7 : memref<!tpu.dma_semaphore, #tpu.memory_space<semaphore_mem>>) src(%dma_wait3A_338 : memref<100000xf32, #tpu.memory_space<hbm>>) dst(%dma_wait3A_330 : memref<128xf32, #tpu.memory_space<vmem>>)
        %dma_wait3A_339 = arith.constant 6 : i32
        %dma_wait3A_340 = arith.constant 6 : i32
        %dma_wait3A_341 = arith.constant 0 : i32
        %dma_wait3A_342 = tpu.memref_slice %arg6[%rem3A_48, %dma_wait3A_340, %dma_wait3A_341] : memref<2x16x128xf32, #tpu.memory_space<vmem>> -> memref<1x1x128xf32, #tpu.memory_space<vmem>>
        %dma_wait3A_343 = tpu.memref_squeeze %dma_wait3A_342 : memref<1x1x128xf32, #tpu.memory_space<vmem>> -> memref<128xf32, #tpu.memory_space<vmem>>
        %dma_wait3A_344 = arith.constant 0 : i32
        %dma_wait3A_345 = tpu.memref_slice %arg5[%scan3A_47, %dma_wait3A_344] : memref<11x128xi32, #tpu.memory_space<vmem>> -> memref<1x128xi32, #tpu.memory_space<vmem>>
        %dma_wait3A_346 = tpu.memref_squeeze %dma_wait3A_345 : memref<1x128xi32, #tpu.memory_space<vmem>> -> memref<128xi32, #tpu.memory_space<vmem>>
        %dma_wait3A_347 = arith.constant 0 : i32
        %dma_wait3A_348 = tpu.memref_slice %arg3[%scan3A_47, %dma_wait3A_339, %dma_wait3A_347] : memref<11x16x100000xf32, #tpu.memory_space<hbm>> -> memref<1x1x100000xf32, #tpu.memory_space<hbm>>
        %dma_wait3A_349 = tpu.memref_squeeze %dma_wait3A_348 : memref<1x1x100000xf32, #tpu.memory_space<hbm>> -> memref<100000xf32, #tpu.memory_space<hbm>>
        %dma_wait3A_350 = arith.constant 0 : i32
        %dma_wait3A_351 = tpu.memref_slice %dma_wait3A_349[%dma_wait3A_350] : memref<100000xf32, #tpu.memory_space<hbm>> -> memref<100000xf32, #tpu.memory_space<hbm>>
        tpu.wait_indirect_dma semaphore(%arg7 : memref<!tpu.dma_semaphore, #tpu.memory_space<semaphore_mem>>) src(%dma_wait3A_351 : memref<100000xf32, #tpu.memory_space<hbm>>) dst(%dma_wait3A_343 : memref<128xf32, #tpu.memory_space<vmem>>)
        %dma_wait3A_352 = arith.constant 7 : i32
        %dma_wait3A_353 = arith.constant 7 : i32
        %dma_wait3A_354 = arith.constant 0 : i32
        %dma_wait3A_355 = tpu.memref_slice %arg6[%rem3A_48, %dma_wait3A_353, %dma_wait3A_354] : memref<2x16x128xf32, #tpu.memory_space<vmem>> -> memref<1x1x128xf32, #tpu.memory_space<vmem>>
        %dma_wait3A_356 = tpu.memref_squeeze %dma_wait3A_355 : memref<1x1x128xf32, #tpu.memory_space<vmem>> -> memref<128xf32, #tpu.memory_space<vmem>>
        %dma_wait3A_357 = arith.constant 0 : i32
        %dma_wait3A_358 = tpu.memref_slice %arg5[%scan3A_47, %dma_wait3A_357] : memref<11x128xi32, #tpu.memory_space<vmem>> -> memref<1x128xi32, #tpu.memory_space<vmem>>
        %dma_wait3A_359 = tpu.memref_squeeze %dma_wait3A_358 : memref<1x128xi32, #tpu.memory_space<vmem>> -> memref<128xi32, #tpu.memory_space<vmem>>
        %dma_wait3A_360 = arith.constant 0 : i32
        %dma_wait3A_361 = tpu.memref_slice %arg3[%scan3A_47, %dma_wait3A_352, %dma_wait3A_360] : memref<11x16x100000xf32, #tpu.memory_space<hbm>> -> memref<1x1x100000xf32, #tpu.memory_space<hbm>>
        %dma_wait3A_362 = tpu.memref_squeeze %dma_wait3A_361 : memref<1x1x100000xf32, #tpu.memory_space<hbm>> -> memref<100000xf32, #tpu.memory_space<hbm>>
        %dma_wait3A_363 = arith.constant 0 : i32
        %dma_wait3A_364 = tpu.memref_slice %dma_wait3A_362[%dma_wait3A_363] : memref<100000xf32, #tpu.memory_space<hbm>> -> memref<100000xf32, #tpu.memory_space<hbm>>
        tpu.wait_indirect_dma semaphore(%arg7 : memref<!tpu.dma_semaphore, #tpu.memory_space<semaphore_mem>>) src(%dma_wait3A_364 : memref<100000xf32, #tpu.memory_space<hbm>>) dst(%dma_wait3A_356 : memref<128xf32, #tpu.memory_space<vmem>>)
        %dma_wait3A_365 = arith.constant 8 : i32
        %dma_wait3A_366 = arith.constant 8 : i32
        %dma_wait3A_367 = arith.constant 0 : i32
        %dma_wait3A_368 = tpu.memref_slice %arg6[%rem3A_48, %dma_wait3A_366, %dma_wait3A_367] : memref<2x16x128xf32, #tpu.memory_space<vmem>> -> memref<1x1x128xf32, #tpu.memory_space<vmem>>
        %dma_wait3A_369 = tpu.memref_squeeze %dma_wait3A_368 : memref<1x1x128xf32, #tpu.memory_space<vmem>> -> memref<128xf32, #tpu.memory_space<vmem>>
        %dma_wait3A_370 = arith.constant 0 : i32
        %dma_wait3A_371 = tpu.memref_slice %arg5[%scan3A_47, %dma_wait3A_370] : memref<11x128xi32, #tpu.memory_space<vmem>> -> memref<1x128xi32, #tpu.memory_space<vmem>>
        %dma_wait3A_372 = tpu.memref_squeeze %dma_wait3A_371 : memref<1x128xi32, #tpu.memory_space<vmem>> -> memref<128xi32, #tpu.memory_space<vmem>>
        %dma_wait3A_373 = arith.constant 0 : i32
        %dma_wait3A_374 = tpu.memref_slice %arg3[%scan3A_47, %dma_wait3A_365, %dma_wait3A_373] : memref<11x16x100000xf32, #tpu.memory_space<hbm>> -> memref<1x1x100000xf32, #tpu.memory_space<hbm>>
        %dma_wait3A_375 = tpu.memref_squeeze %dma_wait3A_374 : memref<1x1x100000xf32, #tpu.memory_space<hbm>> -> memref<100000xf32, #tpu.memory_space<hbm>>
        %dma_wait3A_376 = arith.constant 0 : i32
        %dma_wait3A_377 = tpu.memref_slice %dma_wait3A_375[%dma_wait3A_376] : memref<100000xf32, #tpu.memory_space<hbm>> -> memref<100000xf32, #tpu.memory_space<hbm>>
        tpu.wait_indirect_dma semaphore(%arg7 : memref<!tpu.dma_semaphore, #tpu.memory_space<semaphore_mem>>) src(%dma_wait3A_377 : memref<100000xf32, #tpu.memory_space<hbm>>) dst(%dma_wait3A_369 : memref<128xf32, #tpu.memory_space<vmem>>)
        %dma_wait3A_378 = arith.constant 9 : i32
        %dma_wait3A_379 = arith.constant 9 : i32
        %dma_wait3A_380 = arith.constant 0 : i32
        %dma_wait3A_381 = tpu.memref_slice %arg6[%rem3A_48, %dma_wait3A_379, %dma_wait3A_380] : memref<2x16x128xf32, #tpu.memory_space<vmem>> -> memref<1x1x128xf32, #tpu.memory_space<vmem>>
        %dma_wait3A_382 = tpu.memref_squeeze %dma_wait3A_381 : memref<1x1x128xf32, #tpu.memory_space<vmem>> -> memref<128xf32, #tpu.memory_space<vmem>>
        %dma_wait3A_383 = arith.constant 0 : i32
        %dma_wait3A_384 = tpu.memref_slice %arg5[%scan3A_47, %dma_wait3A_383] : memref<11x128xi32, #tpu.memory_space<vmem>> -> memref<1x128xi32, #tpu.memory_space<vmem>>
        %dma_wait3A_385 = tpu.memref_squeeze %dma_wait3A_384 : memref<1x128xi32, #tpu.memory_space<vmem>> -> memref<128xi32, #tpu.memory_space<vmem>>
        %dma_wait3A_386 = arith.constant 0 : i32
        %dma_wait3A_387 = tpu.memref_slice %arg3[%scan3A_47, %dma_wait3A_378, %dma_wait3A_386] : memref<11x16x100000xf32, #tpu.memory_space<hbm>> -> memref<1x1x100000xf32, #tpu.memory_space<hbm>>
        %dma_wait3A_388 = tpu.memref_squeeze %dma_wait3A_387 : memref<1x1x100000xf32, #tpu.memory_space<hbm>> -> memref<100000xf32, #tpu.memory_space<hbm>>
        %dma_wait3A_389 = arith.constant 0 : i32
        %dma_wait3A_390 = tpu.memref_slice %dma_wait3A_388[%dma_wait3A_389] : memref<100000xf32, #tpu.memory_space<hbm>> -> memref<100000xf32, #tpu.memory_space<hbm>>
        tpu.wait_indirect_dma semaphore(%arg7 : memref<!tpu.dma_semaphore, #tpu.memory_space<semaphore_mem>>) src(%dma_wait3A_390 : memref<100000xf32, #tpu.memory_space<hbm>>) dst(%dma_wait3A_382 : memref<128xf32, #tpu.memory_space<vmem>>)
        %dma_wait3A_391 = arith.constant 10 : i32
        %dma_wait3A_392 = arith.constant 10 : i32
        %dma_wait3A_393 = arith.constant 0 : i32
        %dma_wait3A_394 = tpu.memref_slice %arg6[%rem3A_48, %dma_wait3A_392, %dma_wait3A_393] : memref<2x16x128xf32, #tpu.memory_space<vmem>> -> memref<1x1x128xf32, #tpu.memory_space<vmem>>
        %dma_wait3A_395 = tpu.memref_squeeze %dma_wait3A_394 : memref<1x1x128xf32, #tpu.memory_space<vmem>> -> memref<128xf32, #tpu.memory_space<vmem>>
        %dma_wait3A_396 = arith.constant 0 : i32
        %dma_wait3A_397 = tpu.memref_slice %arg5[%scan3A_47, %dma_wait3A_396] : memref<11x128xi32, #tpu.memory_space<vmem>> -> memref<1x128xi32, #tpu.memory_space<vmem>>
        %dma_wait3A_398 = tpu.memref_squeeze %dma_wait3A_397 : memref<1x128xi32, #tpu.memory_space<vmem>> -> memref<128xi32, #tpu.memory_space<vmem>>
        %dma_wait3A_399 = arith.constant 0 : i32
        %dma_wait3A_400 = tpu.memref_slice %arg3[%scan3A_47, %dma_wait3A_391, %dma_wait3A_399] : memref<11x16x100000xf32, #tpu.memory_space<hbm>> -> memref<1x1x100000xf32, #tpu.memory_space<hbm>>
        %dma_wait3A_401 = tpu.memref_squeeze %dma_wait3A_400 : memref<1x1x100000xf32, #tpu.memory_space<hbm>> -> memref<100000xf32, #tpu.memory_space<hbm>>
        %dma_wait3A_402 = arith.constant 0 : i32
        %dma_wait3A_403 = tpu.memref_slice %dma_wait3A_401[%dma_wait3A_402] : memref<100000xf32, #tpu.memory_space<hbm>> -> memref<100000xf32, #tpu.memory_space<hbm>>
        tpu.wait_indirect_dma semaphore(%arg7 : memref<!tpu.dma_semaphore, #tpu.memory_space<semaphore_mem>>) src(%dma_wait3A_403 : memref<100000xf32, #tpu.memory_space<hbm>>) dst(%dma_wait3A_395 : memref<128xf32, #tpu.memory_space<vmem>>)
        %dma_wait3A_404 = arith.constant 11 : i32
        %dma_wait3A_405 = arith.constant 11 : i32
        %dma_wait3A_406 = arith.constant 0 : i32
        %dma_wait3A_407 = tpu.memref_slice %arg6[%rem3A_48, %dma_wait3A_405, %dma_wait3A_406] : memref<2x16x128xf32, #tpu.memory_space<vmem>> -> memref<1x1x128xf32, #tpu.memory_space<vmem>>
        %dma_wait3A_408 = tpu.memref_squeeze %dma_wait3A_407 : memref<1x1x128xf32, #tpu.memory_space<vmem>> -> memref<128xf32, #tpu.memory_space<vmem>>
        %dma_wait3A_409 = arith.constant 0 : i32
        %dma_wait3A_410 = tpu.memref_slice %arg5[%scan3A_47, %dma_wait3A_409] : memref<11x128xi32, #tpu.memory_space<vmem>> -> memref<1x128xi32, #tpu.memory_space<vmem>>
        %dma_wait3A_411 = tpu.memref_squeeze %dma_wait3A_410 : memref<1x128xi32, #tpu.memory_space<vmem>> -> memref<128xi32, #tpu.memory_space<vmem>>
        %dma_wait3A_412 = arith.constant 0 : i32
        %dma_wait3A_413 = tpu.memref_slice %arg3[%scan3A_47, %dma_wait3A_404, %dma_wait3A_412] : memref<11x16x100000xf32, #tpu.memory_space<hbm>> -> memref<1x1x100000xf32, #tpu.memory_space<hbm>>
        %dma_wait3A_414 = tpu.memref_squeeze %dma_wait3A_413 : memref<1x1x100000xf32, #tpu.memory_space<hbm>> -> memref<100000xf32, #tpu.memory_space<hbm>>
        %dma_wait3A_415 = arith.constant 0 : i32
        %dma_wait3A_416 = tpu.memref_slice %dma_wait3A_414[%dma_wait3A_415] : memref<100000xf32, #tpu.memory_space<hbm>> -> memref<100000xf32, #tpu.memory_space<hbm>>
        tpu.wait_indirect_dma semaphore(%arg7 : memref<!tpu.dma_semaphore, #tpu.memory_space<semaphore_mem>>) src(%dma_wait3A_416 : memref<100000xf32, #tpu.memory_space<hbm>>) dst(%dma_wait3A_408 : memref<128xf32, #tpu.memory_space<vmem>>)
        %dma_wait3A_417 = arith.constant 12 : i32
        %dma_wait3A_418 = arith.constant 12 : i32
        %dma_wait3A_419 = arith.constant 0 : i32
        %dma_wait3A_420 = tpu.memref_slice %arg6[%rem3A_48, %dma_wait3A_418, %dma_wait3A_419] : memref<2x16x128xf32, #tpu.memory_space<vmem>> -> memref<1x1x128xf32, #tpu.memory_space<vmem>>
        %dma_wait3A_421 = tpu.memref_squeeze %dma_wait3A_420 : memref<1x1x128xf32, #tpu.memory_space<vmem>> -> memref<128xf32, #tpu.memory_space<vmem>>
        %dma_wait3A_422 = arith.constant 0 : i32
        %dma_wait3A_423 = tpu.memref_slice %arg5[%scan3A_47, %dma_wait3A_422] : memref<11x128xi32, #tpu.memory_space<vmem>> -> memref<1x128xi32, #tpu.memory_space<vmem>>
        %dma_wait3A_424 = tpu.memref_squeeze %dma_wait3A_423 : memref<1x128xi32, #tpu.memory_space<vmem>> -> memref<128xi32, #tpu.memory_space<vmem>>
        %dma_wait3A_425 = arith.constant 0 : i32
        %dma_wait3A_426 = tpu.memref_slice %arg3[%scan3A_47, %dma_wait3A_417, %dma_wait3A_425] : memref<11x16x100000xf32, #tpu.memory_space<hbm>> -> memref<1x1x100000xf32, #tpu.memory_space<hbm>>
        %dma_wait3A_427 = tpu.memref_squeeze %dma_wait3A_426 : memref<1x1x100000xf32, #tpu.memory_space<hbm>> -> memref<100000xf32, #tpu.memory_space<hbm>>
        %dma_wait3A_428 = arith.constant 0 : i32
        %dma_wait3A_429 = tpu.memref_slice %dma_wait3A_427[%dma_wait3A_428] : memref<100000xf32, #tpu.memory_space<hbm>> -> memref<100000xf32, #tpu.memory_space<hbm>>
        tpu.wait_indirect_dma semaphore(%arg7 : memref<!tpu.dma_semaphore, #tpu.memory_space<semaphore_mem>>) src(%dma_wait3A_429 : memref<100000xf32, #tpu.memory_space<hbm>>) dst(%dma_wait3A_421 : memref<128xf32, #tpu.memory_space<vmem>>)
        %dma_wait3A_430 = arith.constant 13 : i32
        %dma_wait3A_431 = arith.constant 13 : i32
        %dma_wait3A_432 = arith.constant 0 : i32
        %dma_wait3A_433 = tpu.memref_slice %arg6[%rem3A_48, %dma_wait3A_431, %dma_wait3A_432] : memref<2x16x128xf32, #tpu.memory_space<vmem>> -> memref<1x1x128xf32, #tpu.memory_space<vmem>>
        %dma_wait3A_434 = tpu.memref_squeeze %dma_wait3A_433 : memref<1x1x128xf32, #tpu.memory_space<vmem>> -> memref<128xf32, #tpu.memory_space<vmem>>
        %dma_wait3A_435 = arith.constant 0 : i32
        %dma_wait3A_436 = tpu.memref_slice %arg5[%scan3A_47, %dma_wait3A_435] : memref<11x128xi32, #tpu.memory_space<vmem>> -> memref<1x128xi32, #tpu.memory_space<vmem>>
        %dma_wait3A_437 = tpu.memref_squeeze %dma_wait3A_436 : memref<1x128xi32, #tpu.memory_space<vmem>> -> memref<128xi32, #tpu.memory_space<vmem>>
        %dma_wait3A_438 = arith.constant 0 : i32
        %dma_wait3A_439 = tpu.memref_slice %arg3[%scan3A_47, %dma_wait3A_430, %dma_wait3A_438] : memref<11x16x100000xf32, #tpu.memory_space<hbm>> -> memref<1x1x100000xf32, #tpu.memory_space<hbm>>
        %dma_wait3A_440 = tpu.memref_squeeze %dma_wait3A_439 : memref<1x1x100000xf32, #tpu.memory_space<hbm>> -> memref<100000xf32, #tpu.memory_space<hbm>>
        %dma_wait3A_441 = arith.constant 0 : i32
        %dma_wait3A_442 = tpu.memref_slice %dma_wait3A_440[%dma_wait3A_441] : memref<100000xf32, #tpu.memory_space<hbm>> -> memref<100000xf32, #tpu.memory_space<hbm>>
        tpu.wait_indirect_dma semaphore(%arg7 : memref<!tpu.dma_semaphore, #tpu.memory_space<semaphore_mem>>) src(%dma_wait3A_442 : memref<100000xf32, #tpu.memory_space<hbm>>) dst(%dma_wait3A_434 : memref<128xf32, #tpu.memory_space<vmem>>)
        %dma_wait3A_443 = arith.constant 14 : i32
        %dma_wait3A_444 = arith.constant 14 : i32
        %dma_wait3A_445 = arith.constant 0 : i32
        %dma_wait3A_446 = tpu.memref_slice %arg6[%rem3A_48, %dma_wait3A_444, %dma_wait3A_445] : memref<2x16x128xf32, #tpu.memory_space<vmem>> -> memref<1x1x128xf32, #tpu.memory_space<vmem>>
        %dma_wait3A_447 = tpu.memref_squeeze %dma_wait3A_446 : memref<1x1x128xf32, #tpu.memory_space<vmem>> -> memref<128xf32, #tpu.memory_space<vmem>>
        %dma_wait3A_448 = arith.constant 0 : i32
        %dma_wait3A_449 = tpu.memref_slice %arg5[%scan3A_47, %dma_wait3A_448] : memref<11x128xi32, #tpu.memory_space<vmem>> -> memref<1x128xi32, #tpu.memory_space<vmem>>
        %dma_wait3A_450 = tpu.memref_squeeze %dma_wait3A_449 : memref<1x128xi32, #tpu.memory_space<vmem>> -> memref<128xi32, #tpu.memory_space<vmem>>
        %dma_wait3A_451 = arith.constant 0 : i32
        %dma_wait3A_452 = tpu.memref_slice %arg3[%scan3A_47, %dma_wait3A_443, %dma_wait3A_451] : memref<11x16x100000xf32, #tpu.memory_space<hbm>> -> memref<1x1x100000xf32, #tpu.memory_space<hbm>>
        %dma_wait3A_453 = tpu.memref_squeeze %dma_wait3A_452 : memref<1x1x100000xf32, #tpu.memory_space<hbm>> -> memref<100000xf32, #tpu.memory_space<hbm>>
        %dma_wait3A_454 = arith.constant 0 : i32
        %dma_wait3A_455 = tpu.memref_slice %dma_wait3A_453[%dma_wait3A_454] : memref<100000xf32, #tpu.memory_space<hbm>> -> memref<100000xf32, #tpu.memory_space<hbm>>
        tpu.wait_indirect_dma semaphore(%arg7 : memref<!tpu.dma_semaphore, #tpu.memory_space<semaphore_mem>>) src(%dma_wait3A_455 : memref<100000xf32, #tpu.memory_space<hbm>>) dst(%dma_wait3A_447 : memref<128xf32, #tpu.memory_space<vmem>>)
        %dma_wait3A_456 = arith.constant 15 : i32
        %dma_wait3A_457 = arith.constant 15 : i32
        %dma_wait3A_458 = arith.constant 0 : i32
        %dma_wait3A_459 = tpu.memref_slice %arg6[%rem3A_48, %dma_wait3A_457, %dma_wait3A_458] : memref<2x16x128xf32, #tpu.memory_space<vmem>> -> memref<1x1x128xf32, #tpu.memory_space<vmem>>
        %dma_wait3A_460 = tpu.memref_squeeze %dma_wait3A_459 : memref<1x1x128xf32, #tpu.memory_space<vmem>> -> memref<128xf32, #tpu.memory_space<vmem>>
        %dma_wait3A_461 = arith.constant 0 : i32
        %dma_wait3A_462 = tpu.memref_slice %arg5[%scan3A_47, %dma_wait3A_461] : memref<11x128xi32, #tpu.memory_space<vmem>> -> memref<1x128xi32, #tpu.memory_space<vmem>>
        %dma_wait3A_463 = tpu.memref_squeeze %dma_wait3A_462 : memref<1x128xi32, #tpu.memory_space<vmem>> -> memref<128xi32, #tpu.memory_space<vmem>>
        %dma_wait3A_464 = arith.constant 0 : i32
        %dma_wait3A_465 = tpu.memref_slice %arg3[%scan3A_47, %dma_wait3A_456, %dma_wait3A_464] : memref<11x16x100000xf32, #tpu.memory_space<hbm>> -> memref<1x1x100000xf32, #tpu.memory_space<hbm>>
        %dma_wait3A_466 = tpu.memref_squeeze %dma_wait3A_465 : memref<1x1x100000xf32, #tpu.memory_space<hbm>> -> memref<100000xf32, #tpu.memory_space<hbm>>
        %dma_wait3A_467 = arith.constant 0 : i32
        %dma_wait3A_468 = tpu.memref_slice %dma_wait3A_466[%dma_wait3A_467] : memref<100000xf32, #tpu.memory_space<hbm>> -> memref<100000xf32, #tpu.memory_space<hbm>>
        tpu.wait_indirect_dma semaphore(%arg7 : memref<!tpu.dma_semaphore, #tpu.memory_space<semaphore_mem>>) src(%dma_wait3A_468 : memref<100000xf32, #tpu.memory_space<hbm>>) dst(%dma_wait3A_460 : memref<128xf32, #tpu.memory_space<vmem>>)
        %mul3A_469 = arith.constant 16 : i32
        %mul3A_470 = arith.muli %scan3A_47, %mul3A_469 : i32
        %dma_start3A_471 = arith.constant 0 : i32
        %dma_start3A_472 = arith.constant 0 : i32
        %dma_start3A_473 = tpu.memref_slice %arg6[%rem3A_48, %dma_start3A_471, %dma_start3A_472] : memref<2x16x128xf32, #tpu.memory_space<vmem>> -> memref<1x16x128xf32, #tpu.memory_space<vmem>>
        %dma_start3A_474 = tpu.memref_squeeze %dma_start3A_473 : memref<1x16x128xf32, #tpu.memory_space<vmem>> -> memref<16x128xf32, #tpu.memory_space<vmem>>
        %dma_start3A_475 = tpu.memref_slice %arg4[%mul3A_470, %add3A_40] : memref<176x16384xf32, #tpu.memory_space<hbm>> -> memref<16x128xf32, #tpu.memory_space<hbm>>
        %dma_start3A_476 = tpu.memref_slice %arg4[%mul3A_470, %add3A_40] : memref<176x16384xf32, #tpu.memory_space<hbm>> -> memref<16x128xf32, #tpu.memory_space<hbm>>
        %dma_start3A_477 = arith.constant 0 : i32
        %dma_start3A_478 = arith.constant 0 : i32
        %dma_start3A_479 = tpu.memref_slice %arg6[%rem3A_48, %dma_start3A_477, %dma_start3A_478] : memref<2x16x128xf32, #tpu.memory_space<vmem>> -> memref<1x16x128xf32, #tpu.memory_space<vmem>>
        %dma_start3A_480 = tpu.memref_squeeze %dma_start3A_479 : memref<1x16x128xf32, #tpu.memory_space<vmem>> -> memref<16x128xf32, #tpu.memory_space<vmem>>
        tpu.enqueue_dma source(%dma_start3A_480 : memref<16x128xf32, #tpu.memory_space<vmem>>) target(%dma_start3A_476 : memref<16x128xf32, #tpu.memory_space<hbm>>) target_semaphore(%arg8 : memref<!tpu.dma_semaphore, #tpu.memory_space<semaphore_mem>>)
      }
      %scan3A_46 = arith.constant 11 : i32
    }
    %scan3A_5 = arith.constant 4 : i32
    %dma_wait3A = arith.constant 0 : i32
    %dma_wait3A_6 = arith.constant 0 : i32
    %dma_wait3A_7 = arith.constant 0 : i32
    %dma_wait3A_8 = tpu.memref_slice %arg6[%dma_wait3A, %dma_wait3A_6, %dma_wait3A_7] : memref<2x16x128xf32, #tpu.memory_space<vmem>> -> memref<1x16x128xf32, #tpu.memory_space<vmem>>
    %dma_wait3A_9 = tpu.memref_squeeze %dma_wait3A_8 : memref<1x16x128xf32, #tpu.memory_space<vmem>> -> memref<16x128xf32, #tpu.memory_space<vmem>>
    %dma_wait3A_10 = arith.constant 0 : i32
    %dma_wait3A_11 = arith.constant 0 : i32
    %dma_wait3A_12 = tpu.memref_slice %arg4[%dma_wait3A_10, %dma_wait3A_11] : memref<176x16384xf32, #tpu.memory_space<hbm>> -> memref<16x128xf32, #tpu.memory_space<hbm>>
    %dma_wait3A_13 = arith.constant 0 : i32
    %dma_wait3A_14 = arith.constant 0 : i32
    %dma_wait3A_15 = tpu.memref_slice %arg4[%dma_wait3A_13, %dma_wait3A_14] : memref<176x16384xf32, #tpu.memory_space<hbm>> -> memref<16x128xf32, #tpu.memory_space<hbm>>
    %dma_wait3A_16 = arith.constant 0 : i32
    %dma_wait3A_17 = arith.constant 0 : i32
    %dma_wait3A_18 = tpu.memref_slice %arg6[%dma_wait3A, %dma_wait3A_16, %dma_wait3A_17] : memref<2x16x128xf32, #tpu.memory_space<vmem>> -> memref<1x16x128xf32, #tpu.memory_space<vmem>>
    %dma_wait3A_19 = tpu.memref_squeeze %dma_wait3A_18 : memref<1x16x128xf32, #tpu.memory_space<vmem>> -> memref<16x128xf32, #tpu.memory_space<vmem>>
    tpu.wait_dma2 semaphore(%arg8 : memref<!tpu.dma_semaphore, #tpu.memory_space<semaphore_mem>>) src(%dma_wait3A_19 : memref<16x128xf32, #tpu.memory_space<vmem>>) dst(%dma_wait3A_15 : memref<16x128xf32, #tpu.memory_space<hbm>>)
    %dma_wait3A_20 = arith.constant 1 : i32
    %dma_wait3A_21 = arith.constant 0 : i32
    %dma_wait3A_22 = arith.constant 0 : i32
    %dma_wait3A_23 = tpu.memref_slice %arg6[%dma_wait3A_20, %dma_wait3A_21, %dma_wait3A_22] : memref<2x16x128xf32, #tpu.memory_space<vmem>> -> memref<1x16x128xf32, #tpu.memory_space<vmem>>
    %dma_wait3A_24 = tpu.memref_squeeze %dma_wait3A_23 : memref<1x16x128xf32, #tpu.memory_space<vmem>> -> memref<16x128xf32, #tpu.memory_space<vmem>>
    %dma_wait3A_25 = arith.constant 0 : i32
    %dma_wait3A_26 = arith.constant 0 : i32
    %dma_wait3A_27 = tpu.memref_slice %arg4[%dma_wait3A_25, %dma_wait3A_26] : memref<176x16384xf32, #tpu.memory_space<hbm>> -> memref<16x128xf32, #tpu.memory_space<hbm>>
    %dma_wait3A_28 = arith.constant 0 : i32
    %dma_wait3A_29 = arith.constant 0 : i32
    %dma_wait3A_30 = tpu.memref_slice %arg4[%dma_wait3A_28, %dma_wait3A_29] : memref<176x16384xf32, #tpu.memory_space<hbm>> -> memref<16x128xf32, #tpu.memory_space<hbm>>
    %dma_wait3A_31 = arith.constant 0 : i32
    %dma_wait3A_32 = arith.constant 0 : i32
    %dma_wait3A_33 = tpu.memref_slice %arg6[%dma_wait3A_20, %dma_wait3A_31, %dma_wait3A_32] : memref<2x16x128xf32, #tpu.memory_space<vmem>> -> memref<1x16x128xf32, #tpu.memory_space<vmem>>
    %dma_wait3A_34 = tpu.memref_squeeze %dma_wait3A_33 : memref<1x16x128xf32, #tpu.memory_space<vmem>> -> memref<16x128xf32, #tpu.memory_space<vmem>>
    tpu.wait_dma2 semaphore(%arg8 : memref<!tpu.dma_semaphore, #tpu.memory_space<semaphore_mem>>) src(%dma_wait3A_34 : memref<16x128xf32, #tpu.memory_space<vmem>>) dst(%dma_wait3A_30 : memref<16x128xf32, #tpu.memory_space<hbm>>)
    return
  }
}

</mosaic_0001>

<sc_bundles>
// kernel: kernel.4.cloned.1.call-start
scs
__scs_entry_jumppad:
0x0: {  	(pc) =	sbr.rel $0x88, $3  }
0x1: {  	(tag) =	ssettag $0x0;
	lr =	simm.s32 $0x1  }
0x2: {  	[smem:$0x3F9F] =	sst lr;
	_ =	strace $0xD0000000  }
0x3: {  	_ = 	snop  }
0x4: {  	_ = 	snop  }
0x5: {  	_ = 	snop  }
0x6: {  	_ = 	snop  }
0x7: {  	_ = 	snop  }
__scs_overlays_trampoline_lowered:
0x8: {  	[smem:$0x3FAE] =	sst s0  }
0x9: {  	[smem:$0x3FAF] =	sst s1  }
0xa: {  	[smem:$0x3FB0] =	sst s2  }
0xb: {  	[smem:$0x3FB1] =	sst s3  }
0xc: {  	[smem:$0x3FB2] =	sst s4  }
0xd: {  	[smem:$0x3FB3] =	sst s5  }
0xe: {  	[smem:$0x3FB4] =	sst s6  }
0xf: {  	[smem:$0x3FB5] =	sst s7  }
0x10: {  	[smem:$0x3FB6] =	sst s8  }
0x11: {  	[smem:$0x3FB7] =	sst s9;
	s0 =	simm.s32 @!p0 $0x0  }
0x12: {  	s1 =	sld [smem:$0x3F9D];
	s0 =	simm.s32 @p0 $0x1  }
0x13: {  	[smem:$0x3FB8] =	sst s0;
	s0 =	simm.s32 @!p1 $0x0  }
0x14: {  	s2 =	sld [smem:$0x3F9C];
	s0 =	simm.s32 @p1 $0x1  }
0x15: {  	[smem:$0x3FB9] =	sst s0;
	s0 =	simm.s32 @!p2 $0x0  }
0x16: {  	s3 =	sld [smem:$0x3FDB];
	s0 =	simm.s32 @p2 $0x1  }
0x17: {  	s4 =	simm.s32 $0x1BF5;
	[smem:$0x3FBB] =	sst s0  }
0x18: {  	s0 =	sld [smem:$0x3F9E];
	_ =	swait.ge [sflag:s4], $0x0  }
0x19: {  	s7 =	sld [smem:$0x3F9F]  }
0x1a: {  	s8 =	sadd.s32 $0xFFFFE003, lr  }
0x1b: {  	s9 =	sadd.s32 $0xFFFFFEF7, lr;
	s5 =	simm.s32 $0xFFFFFFFF;
	p2 =	slt.u32 s8, $0xFFFFF086  }
0x1c: {  	p1 =	slt.u32 s9, $0xF7A;
	s5 =	simm.s32 @!p2 $0x0  }
0x1d: {  	s5 =	simm.s32 @p1 $0x1;
	p0 =	seq.s32 s7, s2  }
0x1e: {  	s7 =	smul.u32 @!p0 $0xF7A, s2;
	p2 =	seq.s32 @!p0 s5, $0x0  }
0x1f: {  	s9 =	smul.u32 $0xF7A, s1;
	s8 =	simm.s32 @!p0 $0x1BF5;
	p2 =	por !p2, p0  }
0x20: {  	[sflag:s8] =	ssyncset.s32 @!p0 $0xFFFFF086;
	s6 =	sadd.s32 @!p0 s3, s7;
	s7 =	simm.s32 @!p0 $0x108  }
0x21: {  	s3 =	sadd.s32 s3, s9;
	s6 =	sadd.s32 @!p0 $0x88, s6;
	s7 =	simm.s32 @p2 $0x1082  }
0x22: {  	[simem:s7], [sflag:s8] =	dma.local @!p0 [hbm:s6], $0xF7A  }
0x23: {  	s9 =	sor.u32 $0xD0000000, s2;
	s6 =	simm.s32 $0x108;
	_ =	swait.ge @!p0 [sflag:s8], $0x0  }
0x24: {  	s3 =	sadd.s32 $0x88, s3;
	s6 =	simm.s32 @!p1 $0x1082;
	[sflag:s4] =	ssyncset.s32 $0xFFFFF086  }
0x25: {  	[simem:s6], [sflag:s4] =	dma.local [hbm:s3], $0xF7A  }
0x26: {  	[smem:$0x3F9F] =	sst s1;
	(tag) =	ssettag s2;
	_ =	strace s9  }
0x27: {  	s1 =	sld [smem:$0x3FAF]  }
0x28: {  	s2 =	sld [smem:$0x3FB0]  }
0x29: {  	s4 =	sld [smem:$0x3FB2]  }
0x2a: {  	p0 =	seq.s32 s5, $0x0;
	s5 =	sld [smem:$0x3FB3]  }
0x2b: {  	s6 =	sld [smem:$0x3FB4]  }
0x2c: {  	s7 =	sld [smem:$0x3FB5]  }
0x2d: {  	s3 =	simm.s32 $0x108;
	s8 =	sld [smem:$0x3FB6]  }
0x2e: {  	s3 =	simm.s32 @!p0 $0x1082;
	s9 =	sld [smem:$0x3FB7]  }
0x2f: {  	lr =	sadd.s32 s0, s3;
	s0 =	sld [smem:$0x3FAE]  }
0x30: {  	s3 =	sld [smem:$0x3FB1]  }
0x31: {  	[smem:$0x3FBA] =	sst s10  }
0x32: {  	s10 =	sld [smem:$0x3FB8];
	_ =	sdelay $0x3  }
0x33: {  	p0 =	seq.s32 s10, $0x1;
	s10 =	sld [smem:$0x3FBA];
	_ =	sdelay $0x3  }
0x34: {  	[smem:$0x3FBA] =	sst s10  }
0x35: {  	s10 =	sld [smem:$0x3FB9];
	_ =	sdelay $0x3  }
0x36: {  	p1 =	seq.s32 s10, $0x1;
	s10 =	sld [smem:$0x3FBA];
	_ =	sdelay $0x3  }
0x37: {  	[smem:$0x3FBA] =	sst s10  }
0x38: {  	s10 =	sld [smem:$0x3FBB]  }
0x39: {  	_ = 	snop;
	(pc) =	sbr.ind lr, $3  }
0x3a: {  	_ = 	snop  }
0x3b: {  	_ = 	snop  }
0x3c: {  	p2 =	seq.s32 s10, $0x1;
	s10 =	sld [smem:$0x3FBA]  }
0x3d: {  	_ =	shalt  }
0x3e: {  	_ =	shalt  }
0x3f: {  	_ =	shalt  }
0x40: {  	_ =	shalt  }
0x41: {  	_ =	shalt  }
0x42: {  	_ =	shalt  }
0x43: {  	_ =	shalt  }
0x44: {  	_ =	shalt  }
0x45: {  	_ =	shalt  }
0x46: {  	_ =	shalt  }
0x47: {  	_ =	shalt  }
0x48: {  	_ =	shalt  }
0x49: {  	_ =	shalt  }
0x4a: {  	_ =	shalt  }
0x4b: {  	_ =	shalt  }
0x4c: {  	_ =	shalt  }
0x4d: {  	_ =	shalt  }
0x4e: {  	_ =	shalt  }
0x4f: {  	_ =	shalt  }
0x50: {  	_ =	shalt  }
0x51: {  	_ =	shalt  }
0x52: {  	_ =	shalt  }
0x53: {  	_ =	shalt  }
0x54: {  	_ =	shalt  }
0x55: {  	_ =	shalt  }
0x56: {  	_ =	shalt  }
0x57: {  	_ =	shalt  }
0x58: {  	_ =	shalt  }
0x59: {  	_ =	shalt  }
0x5a: {  	_ =	shalt  }
0x5b: {  	_ =	shalt  }
0x5c: {  	_ =	shalt  }
0x5d: {  	_ =	shalt  }
0x5e: {  	_ =	shalt  }
0x5f: {  	_ =	shalt  }
0x60: {  	_ =	shalt  }
0x61: {  	_ =	shalt  }
0x62: {  	_ =	shalt  }
0x63: {  	_ =	shalt  }
0x64: {  	_ =	shalt  }
0x65: {  	_ =	shalt  }
0x66: {  	_ =	shalt  }
0x67: {  	_ =	shalt  }
0x68: {  	_ =	shalt  }
0x69: {  	_ =	shalt  }
0x6a: {  	_ =	shalt  }
0x6b: {  	_ =	shalt  }
0x6c: {  	_ =	shalt  }
0x6d: {  	_ =	shalt  }
0x6e: {  	_ =	shalt  }
0x6f: {  	_ =	shalt  }
0x70: {  	_ =	shalt  }
0x71: {  	_ =	shalt  }
0x72: {  	_ =	shalt  }
0x73: {  	_ =	shalt  }
0x74: {  	_ =	shalt  }
0x75: {  	_ =	shalt  }
0x76: {  	_ =	shalt  }
0x77: {  	_ =	shalt  }
0x78: {  	_ =	shalt  }
0x79: {  	_ =	shalt  }
0x7a: {  	_ =	shalt  }
0x7b: {  	_ =	shalt  }
0x7c: {  	_ =	shalt  }
0x7d: {  	_ =	shalt  }
0x7e: {  	_ =	shalt  }
0x7f: {  	_ =	shalt  }
0x80: {  	_ =	shalt  }
0x81: {  	_ =	shalt  }
0x82: {  	_ =	shalt  }
0x83: {  	_ =	shalt  }
0x84: {  	_ =	shalt  }
0x85: {  	_ =	shalt  }
0x86: {  	_ =	shalt  }
0x87: {  	_ =	shalt  }
.Lfunc_end0:
.L_simem_size_0:
called_computation_lowered:
.L_overlay_start_0:
0x88: {  	s2 =	sld [smem:$0x3FD9]  }
0x89: {  	s3 =	sld [smem:$0x3FFE];
	_ =	sdelay $0x1  }
0x8a: {  	s1 =	srdreg.scid  }
0x8b: {  	s0 =	sand.u32 $0x1, s1  }
0x8c: {  	s17 =	sshll.u32 s0, $0xA;
	s2 =	sadd.s32 s3, s2  }
0x8d: {  	s2 =	sadd.s32 s2, s17  }
0x8e: {  	[smem:$0x3FC6] =	sst s2  }
0x8f: {  	_ = 	snop  }
0x90: {  	(tm) =	ssettm $0x1  }
0x91: {  	s18 =	sld [smem:$0x3FFB];
	_ =	sdelay $0x3  }
0x92: {  	_ =	strace s18  }
0x93: {  	s2 =	sld [smem:$0x3FFC];
	_ =	sdelay $0x3  }
0x94: {  	_ =	strace s2  }
0x95: {  	s2 =	sld [smem:$0x3FFD];
	_ =	sdelay $0x3  }
0x96: {  	_ =	strace s2  }
0x97: {  	_ =	strace $0x8FFFFFFF  }
0x98: {  	s19 =	sld [smem:$0x3FDB];
	_ =	sdelay $0x1  }
0x99: {  	s20 =	simm.s32 $_scs_section_size  }
0x9a: {  	s4 =	simm.s32 $_size__tile_overlayer_lowered;
	s5 =	simm.s32 $_tile_overlayer_lowered  }
0x9b: {  	s6 =	simm.s32 $0x1BFF;
	s21 =	sshll.u32 s5, $0x1;
	s3 =	sadd.s32 s20, s19  }
0x9c: {  	s22 =	simm.s32 $0x0;
	s4 =	sshll.u32 s4, $0x1;
	s5 =	sadd.s32 s21, s3  }
0x9d: {  	[timem:s22], [sflag:s6] =	dma.local [hbm:s5], s4  }
0x9e: {  	_ =	swait.ge [sflag:s6], s4  }
0x9f: {  	s4 =	ssub.s32 $0x0, s4;
	[sflag:s6] =	ssyncset.done $0x0  }
0xa0: {  	[sflag:s6] =	ssyncadd.s32 s4;
	_ =	sdelay $0x1  }
0xa1: {  	s23 =	simm.s32 $0x1B8B  }
0xa2: {  	_ =	swait.ge [sflag:s23], $0x1  }
0xa3: {  	[sflag:s23] =	ssyncset.done $0x0  }
0xa4: {  	[sflag:s23] =	ssyncadd.s32 $0xFFFFFFFF  }
0xa5: {  	s4 =	sld [smem:$0x0]  }
0xa6: {  	s5 =	sand.u32 $0xFFFFFFFE, s1  }
0xa7: {  	p0 =	sne.s32 s1, s5  }
0xa8: {  	s5 =	sshll.u32 @p0 s5, $0xE  }
0xa9: {  	s5 =	sadd.s32 @p0 $0x11B8D, s5;
	s6 =	sshll.u32 @p0 s4, $0x11  }
0xaa: {  	s5 =	sor.u32 @p0 s6, s5  }
0xab: {  	[sflag:s5] =	ssyncadd.remote.s32 @p0 $0x1;
	_ =	sdelay $0x1  }
0xac: {  	s5 =	simm.s32 @p0 $0x1B8D  }
0xad: {  	_ =	swait.eq @p0 [sflag:s5], $0x1  }
0xae: {  	[sflag:s5] =	ssyncadd.s32 @p0 $0xFFFFFFFF  }
0xaf: {  	s6 =	sshll.u32 @!p0 s1, $0xE  }
0xb0: {  	s6 =	sor.u32 @!p0 $0x4000, s6;
	s5 =	simm.s32 @!p0 $0x1B8D  }
0xb1: {  	s4 =	sshll.u32 @!p0 s4, $0x11;
	s6 =	sadd.s32 @!p0 $0x11B8D, s6;
	_ =	swait.eq @!p0 [sflag:s5], $0x1  }
0xb2: {  	s4 =	sor.u32 @!p0 s4, s6;
	[sflag:s5] =	ssyncadd.s32 @!p0 $0xFFFFFFFF  }
0xb3: {  	s25 =	simm.s32 $0x1B8E;
	s24 =	sld [smem:$0x3FFE];
	[sflag:s4] =	ssyncadd.remote.s32 @!p0 $0x1  }
0xb4: {  	s26 =	simm.s32 $execute0_lowered;
	[smem:$0x3FD2] =	sst s25  }
0xb5: {  	s5 =	sshll.u32 s26, $0x1;
	_ =	strace $0x80000049;
	[dreg:$0x1] =	wrdreg $0xFFFFFFFF  }
0xb6: {  	s28 =	simm.s32 $_size_execute0_lowered;
	s3 =	sadd.s32 s3, s5;
	[dreg:$0x0] =	wrdreg $0x0  }
0xb7: {  	s5 =	sshll.u32 s28, $0x1;
	[dreg:$0x2] =	wrdreg s3  }
0xb8: {  	[dreg:$0x3] =	wrdreg s5  }
0xb9: {  	[dreg:$0x4] =	wrdreg $0xC0  }
0xba: {  	_ =	task [dreg:s22], $0x5FFFF  }
0xbb: {  	[dreg:$0x1] =	wrdreg $0xFFFFFFFF  }
0xbc: {  	[dreg:$0x0] =	wrdreg $0x60  }
0xbd: {  	[dreg:$0x2] =	wrdreg s24  }
0xbe: {  	[dreg:$0x3] =	wrdreg $0x9  }
0xbf: {  	_ =	task.clear_ibuf [dreg:s22], $0x4FFFF;
	_ =	strace $0x90000049  }
0xc0: {  	s29 =	simm.s32 $0x9;
	_ =	strace $0x8000004B  }
0xc1: {  	_ =	swait.ge [sflag:s29], $0x1  }
0xc2: {  	[sflag:s29] =	ssyncadd.s32 $0xFFFFFFFF  }
0xc3: {  	_ =	strace $0x9000004B  }
0xc4: {  	_ =	sfence  }
0xc5: {  	s30 =	sld [smem:$0x0];
	_ =	sdelay $0x2  }
0xc6: {  	s31 =	sshll.u32 s1, $0xD;
	s1 =	sshrl.u32 s1, $0x2  }
0xc7: {  	s4 =	sand.u32 $0x4000, s31;
	s1 =	sadd.s32 s1, s30  }
0xc8: {  	s0 =	sor.u32 s4, s0;
	s1 =	sshll.u32 s1, $0x11  }
0xc9: {  	s0 =	sor.u32 s1, s0  }
0xca: {  	s0 =	sadd.s32 $0x8F2B, s0  }
0xcb: {  	[sflag:s0] =	ssyncadd.remote.s32 $0x1  }
0xcc: {  	_ =	sfence.sel $0xFFFF  }
0xcd: {  	[dreg:$0x0] =	wrdreg $0xFFFFFFFF;
	(pc) =	sbr.abs _section_cstart, $3  }
0xce: {  	[dreg:$0x1] =	wrdreg $0xFFFFFFFF  }
0xcf: {  	_ =	task.clear_ibuf [dreg:s22], $0x2FFFF;
	_ =	strace $0x9FFFFFFF  }
0xd0: {  	(tm) =	ssettm $0x7FFFFFFF  }
0xd1: {  	_ =	shalt  }
tec
execute0_lowered:
.L_overlay_start_1:
0x0: {  	(tag) =	ssettag $0x1  }
0x1: {  	s5 =	rddreg [dreg:$0x0]  }
0x2: {  	s0 =	rddreg [dreg:$0x1]  }
0x3: {  	s2 =	simm.s32 $0x0;
	s3 =	srdreg.scid;
	s1 =	stileid.u32  }
0x4: {  	s10 =	simm.s32 $0x1;
	s11 =	simm.s32 $0x2;
	[smem:$0x7FF] =	sst s2  }
0x5: {  	s3 =	sand.u32 $0x1, s3;
	s4 =	sshll.u32 s1, $0xA;
	s8 =	sadd.s32 $0x5BA400, s5  }
0x6: {  	_ =	strace $0x8000004A;
	s6 =	sshll.u32 s3, $0x9;
	s7 =	ssub.s32 $0x2, s3  }
0x7: {  	s3 =	sadd.s32 $0x8200, s5;
	[dreg:$0x2] =	wrdreg s8;
	s4 =	sor.u32 s6, s4  }
0x8: {  	s8 =	simm.s32 $0x4000;
	s30 =	sshrl.u32 s7, $0x1;
	s9 =	sshrl.u32 s4, $0x3  }
0x9: {  	s6 =	ssub.s32 s7, s30;
	s7 =	simm.s32 $0x80;
	s31 =	sadd.s32 s9, s5  }
0xa: {  	s5 =	smax.u32 s6, $0x1;
	s9 =	simm.s32 $0x3;
	s6 =	sadd.s32 $0xDA00, s31  }
.LBB2_1:
0xb: {  	s12 =	simm.s32 $0x0;
	s13 =	smov.u32 s6;
	s14 =	simm.s32 $0x0  }
.LBB2_2:
0xc: {  	s15 =	sshll.u32 s14, $0x7  }
0xd: {  	s15 =	sadd.s32 s4, s15  }
0xe: {  	s15 =	sshrl.u32 s15, $0x3  }
0xf: {  	s17 =	simm.s32 $0x0;
	s15 =	sadd.s32 s3, s15  }
0x10: {  	[tilespmem:s17], [sflag:$0x3] =	stream.strided.gather [hbm4b:s15+s7], $0x580, s8, s7, $0x38;
	[tilespmem:$0x1580] =	vst v63  }
0x11: {  	_ =	swait.ge [sflag:s9], $0x580  }
0x12: {  	p0 =	slt.u32 s12, $0x2;
	[sflag:s9] =	ssyncset.done $0x0  }
0x13: {  	s15 =	simm.s32 @!p0 $0x2;
	[sflag:s9] =	ssyncadd.s32 $0xFFFFFA80  }
0x14: {  	_ =	swait.ge @!p0 [sflag:s15], $0x800  }
0x15: {  	s19 =	sand.u32 $0x800, s17;
	s18 =	rddreg [dreg:$0x2];
	[sflag:s15] =	ssyncset.done @!p0 $0x0  }
0x16: {  	s16 =	sor.u32 $0x580, s19;
	[sflag:s15] =	ssyncadd.s32 @!p0 $0xFFFFF800;
	s15 =	sadd.s32 $0x0, s18  }
0x17: {  	[tilespmem:s16], [sflag:$0x1] =	stream.indirect.gather [hbm4b:s15+s7], $0x1, s17, s7, $0xb8;
	[tilespmem:$0x1580] =	vst v63  }
0x18: {  	s24 =	sor.u32 $0x600, s19;
	s20 =	sadd.s32 $0x30D4, s15  }
0x19: {  	[tilespmem:s24], [sflag:$0x1] =	stream.indirect.gather [hbm4b:s20+s7], $0x1, s17, s7, $0xb8;
	[tilespmem:$0x1580] =	vst v63  }
0x1a: {  	s25 =	sor.u32 $0x680, s19;
	s26 =	sadd.s32 $0x61A8, s15  }
0x1b: {  	[tilespmem:s25], [sflag:$0x1] =	stream.indirect.gather [hbm4b:s26+s7], $0x1, s17, s7, $0xb8;
	[tilespmem:$0x1580] =	vst v63  }
0x1c: {  	s28 =	sor.u32 $0x700, s19;
	s29 =	sadd.s32 $0x927C, s15  }
0x1d: {  	[tilespmem:s28], [sflag:$0x1] =	stream.indirect.gather [hbm4b:s29+s7], $0x1, s17, s7, $0xb8;
	[tilespmem:$0x1580] =	vst v63  }
0x1e: {  	s30 =	sor.u32 $0x780, s19;
	s31 =	sadd.s32 $0xC350, s15  }
0x1f: {  	[tilespmem:s30], [sflag:$0x1] =	stream.indirect.gather [hbm4b:s31+s7], $0x1, s17, s7, $0xb8;
	[tilespmem:$0x1580] =	vst v63  }
0x20: {  	s21 =	sadd.s32 $0x800, s19;
	s22 =	sadd.s32 $0xF424, s15  }
0x21: {  	[tilespmem:s21], [sflag:$0x1] =	stream.indirect.gather [hbm4b:s22+s7], $0x1, s17, s7, $0xb8;
	[tilespmem:$0x1580] =	vst v63  }
0x22: {  	s23 =	sadd.s32 $0x880, s19;
	s24 =	sadd.s32 $0x124F8, s15  }
0x23: {  	[tilespmem:s23], [sflag:$0x1] =	stream.indirect.gather [hbm4b:s24+s7], $0x1, s17, s7, $0xb8;
	[tilespmem:$0x1580] =	vst v63  }
0x24: {  	s25 =	sadd.s32 $0x900, s19;
	s26 =	sadd.s32 $0x155CC, s15  }
0x25: {  	[tilespmem:s25], [sflag:$0x1] =	stream.indirect.gather [hbm4b:s26+s7], $0x1, s17, s7, $0xb8;
	[tilespmem:$0x1580] =	vst v63  }
0x26: {  	s28 =	sadd.s32 $0x980, s19;
	s29 =	sadd.s32 $0x186A0, s15  }
0x27: {  	[tilespmem:s28], [sflag:$0x1] =	stream.indirect.gather [hbm4b:s29+s7], $0x1, s17, s7, $0xb8;
	[tilespmem:$0x1580] =	vst v63  }
0x28: {  	s30 =	sadd.s32 $0xA00, s19;
	s31 =	sadd.s32 $0x1B774, s15  }
0x29: {  	[tilespmem:s30], [sflag:$0x1] =	stream.indirect.gather [hbm4b:s31+s7], $0x1, s17, s7, $0xb8;
	[tilespmem:$0x1580] =	vst v63  }
0x2a: {  	s20 =	sadd.s32 $0xA80, s19;
	s21 =	sadd.s32 $0x1E848, s15  }
0x2b: {  	[tilespmem:s20], [sflag:$0x1] =	stream.indirect.gather [hbm4b:s21+s7], $0x1, s17, s7, $0xb8;
	[tilespmem:$0x1580] =	vst v63  }
0x2c: {  	s22 =	sadd.s32 $0xB00, s19;
	s23 =	sadd.s32 $0x2191C, s15  }
0x2d: {  	[tilespmem:s22], [sflag:$0x1] =	stream.indirect.gather [hbm4b:s23+s7], $0x1, s17, s7, $0xb8;
	[tilespmem:$0x1580] =	vst v63  }
0x2e: {  	s24 =	sadd.s32 $0xB80, s19;
	s25 =	sadd.s32 $0x249F0, s15  }
0x2f: {  	[tilespmem:s24], [sflag:$0x1] =	stream.indirect.gather [hbm4b:s25+s7], $0x1, s17, s7, $0xb8;
	[tilespmem:$0x1580] =	vst v63  }
0x30: {  	s26 =	sadd.s32 $0xC00, s19;
	s28 =	sadd.s32 $0x27AC4, s15  }
0x31: {  	[tilespmem:s26], [sflag:$0x1] =	stream.indirect.gather [hbm4b:s28+s7], $0x1, s17, s7, $0xb8;
	[tilespmem:$0x1580] =	vst v63  }
0x32: {  	s29 =	sadd.s32 $0xC80, s19;
	s30 =	sadd.s32 $0x2AB98, s15  }
0x33: {  	[tilespmem:s29], [sflag:$0x1] =	stream.indirect.gather [hbm4b:s30+s7], $0x1, s17, s7, $0xb8;
	[tilespmem:$0x1580] =	vst v63  }
0x34: {  	s31 =	sadd.s32 $0xD00, s19;
	s15 =	sadd.s32 $0x2DC6C, s15  }
0x35: {  	[tilespmem:s31], [sflag:$0x1] =	stream.indirect.gather [hbm4b:s15+s7], $0x1, s17, s7, $0xb8;
	[tilespmem:$0x1580] =	vst v63  }
0x36: {  	_ =	swait.ge [sflag:s10], $0x80  }
0x37: {  	[sflag:s10] =	ssyncset.done $0x0  }
0x38: {  	[sflag:s10] =	ssyncadd.s32 $0xFFFFFF80  }
0x39: {  	_ =	swait.ge [sflag:s10], $0x80  }
0x3a: {  	[sflag:s10] =	ssyncset.done $0x0  }
0x3b: {  	[sflag:s10] =	ssyncadd.s32 $0xFFFFFF80  }
0x3c: {  	_ =	swait.ge [sflag:s10], $0x80  }
0x3d: {  	[sflag:s10] =	ssyncset.done $0x0  }
0x3e: {  	[sflag:s10] =	ssyncadd.s32 $0xFFFFFF80  }
0x3f: {  	_ =	swait.ge [sflag:s10], $0x80  }
0x40: {  	[sflag:s10] =	ssyncset.done $0x0  }
0x41: {  	[sflag:s10] =	ssyncadd.s32 $0xFFFFFF80  }
0x42: {  	_ =	swait.ge [sflag:s10], $0x80  }
0x43: {  	[sflag:s10] =	ssyncset.done $0x0  }
0x44: {  	[sflag:s10] =	ssyncadd.s32 $0xFFFFFF80  }
0x45: {  	_ =	swait.ge [sflag:s10], $0x80  }
0x46: {  	[sflag:s10] =	ssyncset.done $0x0  }
0x47: {  	[sflag:s10] =	ssyncadd.s32 $0xFFFFFF80  }
0x48: {  	_ =	swait.ge [sflag:s10], $0x80  }
0x49: {  	[sflag:s10] =	ssyncset.done $0x0  }
0x4a: {  	[sflag:s10] =	ssyncadd.s32 $0xFFFFFF80  }
0x4b: {  	_ =	swait.ge [sflag:s10], $0x80  }
0x4c: {  	[sflag:s10] =	ssyncset.done $0x0  }
0x4d: {  	[sflag:s10] =	ssyncadd.s32 $0xFFFFFF80  }
0x4e: {  	_ =	swait.ge [sflag:s10], $0x80  }
0x4f: {  	[sflag:s10] =	ssyncset.done $0x0  }
0x50: {  	[sflag:s10] =	ssyncadd.s32 $0xFFFFFF80  }
0x51: {  	_ =	swait.ge [sflag:s10], $0x80  }
0x52: {  	[sflag:s10] =	ssyncset.done $0x0  }
0x53: {  	[sflag:s10] =	ssyncadd.s32 $0xFFFFFF80  }
0x54: {  	_ =	swait.ge [sflag:s10], $0x80  }
0x55: {  	[sflag:s10] =	ssyncset.done $0x0  }
0x56: {  	[sflag:s10] =	ssyncadd.s32 $0xFFFFFF80  }
0x57: {  	_ =	swait.ge [sflag:s10], $0x80  }
0x58: {  	[sflag:s10] =	ssyncset.done $0x0  }
0x59: {  	[sflag:s10] =	ssyncadd.s32 $0xFFFFFF80  }
0x5a: {  	_ =	swait.ge [sflag:s10], $0x80  }
0x5b: {  	[sflag:s10] =	ssyncset.done $0x0  }
0x5c: {  	[sflag:s10] =	ssyncadd.s32 $0xFFFFFF80  }
0x5d: {  	_ =	swait.ge [sflag:s10], $0x80  }
0x5e: {  	[sflag:s10] =	ssyncset.done $0x0  }
0x5f: {  	[sflag:s10] =	ssyncadd.s32 $0xFFFFFF80  }
0x60: {  	_ =	swait.ge [sflag:s10], $0x80  }
0x61: {  	s18 =	simm.s32 $0x30D40;
	s19 =	simm.s32 $0x800;
	[sflag:s10] =	ssyncset.done $0x0  }
0x62: {  	s20 =	simm.s32 $0x61A80;
	s21 =	sadd.s32 $0x1, s12;
	[sflag:s10] =	ssyncadd.s32 $0xFFFFFF80  }
0x63: {  	p1 =	slt.u32 s21, $0x2;
	s22 =	smov.u32 s13;
	_ =	swait.ge [sflag:s10], $0x80  }
0x64: {  	s17 =	simm.s32 $0x80;
	s15 =	sadd.s32 $0x8000, s13;
	[sflag:s10] =	ssyncset.done $0x0  }
.LBB2_3:
0x65: {  	s24 =	simm.s32 @!p1 $0x2;
	[sflag:s10] =	ssyncadd.s32 $0xFFFFFF80  }
0x66: {  	[hbm4b:s22+s7] =	stream.strided.scatter [tilespmem:s16], [sflag:$0x2], $0x800, s8, s7, $0x38;
	[tilespmem:$0x1580] =	vst v63  }
0x67: {  	_ =	swait.ge @!p1 [sflag:s24], $0x800  }
0x68: {  	s23 =	sand.u32 $0x800, s19;
	s26 =	rddreg [dreg:$0x2];
	[sflag:s24] =	ssyncset.done @!p1 $0x0  }
0x69: {  	s16 =	sor.u32 $0x580, s23;
	[sflag:s24] =	ssyncadd.s32 @!p1 $0xFFFFF800;
	s24 =	sadd.s32 s18, s26  }
0x6a: {  	[tilespmem:s16], [sflag:$0x1] =	stream.indirect.gather [hbm4b:s24+s7], $0x1, s17, s7, $0xb8;
	[tilespmem:$0x1580] =	vst v63  }
0x6b: {  	s29 =	sor.u32 $0x600, s23;
	s28 =	sadd.s32 $0x30D4, s24  }
0x6c: {  	[tilespmem:s29], [sflag:$0x1] =	stream.indirect.gather [hbm4b:s28+s7], $0x1, s17, s7, $0xb8;
	[tilespmem:$0x1580] =	vst v63  }
0x6d: {  	s30 =	sor.u32 $0x680, s23;
	s31 =	sadd.s32 $0x61A8, s24  }
0x6e: {  	[tilespmem:s30], [sflag:$0x1] =	stream.indirect.gather [hbm4b:s31+s7], $0x1, s17, s7, $0xb8;
	[tilespmem:$0x1580] =	vst v63  }
0x6f: {  	s28 =	sor.u32 $0x700, s23;
	s29 =	sadd.s32 $0x927C, s24  }
0x70: {  	[tilespmem:s28], [sflag:$0x1] =	stream.indirect.gather [hbm4b:s29+s7], $0x1, s17, s7, $0xb8;
	[tilespmem:$0x1580] =	vst v63  }
0x71: {  	s30 =	sor.u32 $0x780, s23;
	s31 =	sadd.s32 $0xC350, s24  }
0x72: {  	[tilespmem:s30], [sflag:$0x1] =	stream.indirect.gather [hbm4b:s31+s7], $0x1, s17, s7, $0xb8;
	[tilespmem:$0x1580] =	vst v63  }
0x73: {  	s28 =	sadd.s32 $0x800, s23;
	s29 =	sadd.s32 $0xF424, s24  }
0x74: {  	[tilespmem:s28], [sflag:$0x1] =	stream.indirect.gather [hbm4b:s29+s7], $0x1, s17, s7, $0xb8;
	[tilespmem:$0x1580] =	vst v63  }
0x75: {  	s30 =	sadd.s32 $0x880, s23;
	s31 =	sadd.s32 $0x124F8, s24  }
0x76: {  	[tilespmem:s30], [sflag:$0x1] =	stream.indirect.gather [hbm4b:s31+s7], $0x1, s17, s7, $0xb8;
	[tilespmem:$0x1580] =	vst v63  }
0x77: {  	s28 =	sadd.s32 $0x900, s23;
	s29 =	sadd.s32 $0x155CC, s24  }
0x78: {  	[tilespmem:s28], [sflag:$0x1] =	stream.indirect.gather [hbm4b:s29+s7], $0x1, s17, s7, $0xb8;
	[tilespmem:$0x1580] =	vst v63  }
0x79: {  	s30 =	sadd.s32 $0x980, s23;
	s31 =	sadd.s32 $0x186A0, s24  }
0x7a: {  	[tilespmem:s30], [sflag:$0x1] =	stream.indirect.gather [hbm4b:s31+s7], $0x1, s17, s7, $0xb8;
	[tilespmem:$0x1580] =	vst v63  }
0x7b: {  	s28 =	sadd.s32 $0xA00, s23;
	s29 =	sadd.s32 $0x1B774, s24  }
0x7c: {  	[tilespmem:s28], [sflag:$0x1] =	stream.indirect.gather [hbm4b:s29+s7], $0x1, s17, s7, $0xb8;
	[tilespmem:$0x1580] =	vst v63  }
0x7d: {  	s30 =	sadd.s32 $0xA80, s23;
	s31 =	sadd.s32 $0x1E848, s24  }
0x7e: {  	[tilespmem:s30], [sflag:$0x1] =	stream.indirect.gather [hbm4b:s31+s7], $0x1, s17, s7, $0xb8;
	[tilespmem:$0x1580] =	vst v63  }
0x7f: {  	s28 =	sadd.s32 $0xB00, s23;
	s29 =	sadd.s32 $0x2191C, s24  }
0x80: {  	[tilespmem:s28], [sflag:$0x1] =	stream.indirect.gather [hbm4b:s29+s7], $0x1, s17, s7, $0xb8;
	[tilespmem:$0x1580] =	vst v63  }
0x81: {  	s30 =	sadd.s32 $0xB80, s23;
	s31 =	sadd.s32 $0x249F0, s24  }
0x82: {  	[tilespmem:s30], [sflag:$0x1] =	stream.indirect.gather [hbm4b:s31+s7], $0x1, s17, s7, $0xb8;
	[tilespmem:$0x1580] =	vst v63  }
0x83: {  	s28 =	sadd.s32 $0xC00, s23;
	s29 =	sadd.s32 $0x27AC4, s24  }
0x84: {  	[tilespmem:s28], [sflag:$0x1] =	stream.indirect.gather [hbm4b:s29+s7], $0x1, s17, s7, $0xb8;
	[tilespmem:$0x1580] =	vst v63  }
0x85: {  	s30 =	sadd.s32 $0xC80, s23;
	s31 =	sadd.s32 $0x2AB98, s24  }
0x86: {  	[tilespmem:s30], [sflag:$0x1] =	stream.indirect.gather [hbm4b:s31+s7], $0x1, s17, s7, $0xb8;
	[tilespmem:$0x1580] =	vst v63  }
0x87: {  	s23 =	sadd.s32 $0xD00, s23;
	s24 =	sadd.s32 $0x2DC6C, s24  }
0x88: {  	[tilespmem:s23], [sflag:$0x1] =	stream.indirect.gather [hbm4b:s24+s7], $0x1, s17, s7, $0xb8;
	[tilespmem:$0x1580] =	vst v63  }
0x89: {  	_ =	swait.ge [sflag:s10], $0x80  }
0x8a: {  	[sflag:s10] =	ssyncset.done $0x0  }
0x8b: {  	[sflag:s10] =	ssyncadd.s32 $0xFFFFFF80  }
0x8c: {  	_ =	swait.ge [sflag:s10], $0x80  }
0x8d: {  	[sflag:s10] =	ssyncset.done $0x0  }
0x8e: {  	[sflag:s10] =	ssyncadd.s32 $0xFFFFFF80  }
0x8f: {  	_ =	swait.ge [sflag:s10], $0x80  }
0x90: {  	[sflag:s10] =	ssyncset.done $0x0  }
0x91: {  	[sflag:s10] =	ssyncadd.s32 $0xFFFFFF80  }
0x92: {  	_ =	swait.ge [sflag:s10], $0x80  }
0x93: {  	[sflag:s10] =	ssyncset.done $0x0  }
0x94: {  	[sflag:s10] =	ssyncadd.s32 $0xFFFFFF80  }
0x95: {  	_ =	swait.ge [sflag:s10], $0x80  }
0x96: {  	[sflag:s10] =	ssyncset.done $0x0  }
0x97: {  	[sflag:s10] =	ssyncadd.s32 $0xFFFFFF80  }
0x98: {  	_ =	swait.ge [sflag:s10], $0x80  }
0x99: {  	[sflag:s10] =	ssyncset.done $0x0  }
0x9a: {  	[sflag:s10] =	ssyncadd.s32 $0xFFFFFF80  }
0x9b: {  	_ =	swait.ge [sflag:s10], $0x80  }
0x9c: {  	[sflag:s10] =	ssyncset.done $0x0  }
0x9d: {  	[sflag:s10] =	ssyncadd.s32 $0xFFFFFF80  }
0x9e: {  	_ =	swait.ge [sflag:s10], $0x80  }
0x9f: {  	[sflag:s10] =	ssyncset.done $0x0  }
0xa0: {  	[sflag:s10] =	ssyncadd.s32 $0xFFFFFF80  }
0xa1: {  	_ =	swait.ge [sflag:s10], $0x80  }
0xa2: {  	[sflag:s10] =	ssyncset.done $0x0  }
0xa3: {  	[sflag:s10] =	ssyncadd.s32 $0xFFFFFF80  }
0xa4: {  	_ =	swait.ge [sflag:s10], $0x80  }
0xa5: {  	[sflag:s10] =	ssyncset.done $0x0  }
0xa6: {  	[sflag:s10] =	ssyncadd.s32 $0xFFFFFF80  }
0xa7: {  	_ =	swait.ge [sflag:s10], $0x80  }
0xa8: {  	[sflag:s10] =	ssyncset.done $0x0  }
0xa9: {  	[sflag:s10] =	ssyncadd.s32 $0xFFFFFF80  }
0xaa: {  	_ =	swait.ge [sflag:s10], $0x80  }
0xab: {  	[sflag:s10] =	ssyncset.done $0x0  }
0xac: {  	[sflag:s10] =	ssyncadd.s32 $0xFFFFFF80  }
0xad: {  	_ =	swait.ge [sflag:s10], $0x80  }
0xae: {  	[sflag:s10] =	ssyncset.done $0x0  }
0xaf: {  	[sflag:s10] =	ssyncadd.s32 $0xFFFFFF80  }
0xb0: {  	_ =	swait.ge [sflag:s10], $0x80  }
0xb1: {  	s25 =	smov.u32 s20;
	s20 =	sadd.s32 $0x30D40, s20;
	[sflag:s10] =	ssyncset.done $0x0  }
0xb2: {  	p0 =	sne.s32 s20, $0x2191C0;
	[sflag:s10] =	ssyncadd.s32 $0xFFFFFF80  }
.Ltmp0:
0xb3: {  	_ =	swait.ge [sflag:s10], $0x80;
	(pc) =	sbr.rel @p0 .LBB2_3-.Ltmp0, $4  }
0xb4: {  	s19 =	sadd.s32 $0x800, s19;
	[sflag:s10] =	ssyncset.done $0x0  }
0xb5: {  	s21 =	sadd.s32 $0x1, s21;
	s22 =	smov.u32 s15;
	[sflag:s10] =	ssyncadd.s32 $0xFFFFFF80  }
0xb6: {  	s15 =	sadd.s32 $0x8000, s15;
	s18 =	smov.u32 s25;
	_ =	swait.ge [sflag:s10], $0x80  }
0xb7: {  	p1 =	slt.u32 s21, $0x2;
	s17 =	sadd.s32 $0x80, s17;
	[sflag:s10] =	ssyncset.done $0x0  }
0xb8: {  	s20 =	simm.s32 @!p1 $0x2;
	[sflag:s10] =	ssyncadd.s32 $0xFFFFFF80  }
0xb9: {  	[hbm4b:s22+s7] =	stream.strided.scatter [tilespmem:s16], [sflag:$0x2], $0x800, s8, s7, $0x38;
	[tilespmem:$0x1580] =	vst v63  }
0xba: {  	_ =	swait.ge @!p1 [sflag:s20], $0x800  }
0xbb: {  	s19 =	sand.u32 $0x800, s19;
	s21 =	rddreg [dreg:$0x2];
	[sflag:s20] =	ssyncset.done @!p1 $0x0  }
0xbc: {  	s16 =	sor.u32 $0x580, s19;
	[sflag:s20] =	ssyncadd.s32 @!p1 $0xFFFFF800;
	s18 =	sadd.s32 s18, s21  }
0xbd: {  	[tilespmem:s16], [sflag:$0x1] =	stream.indirect.gather [hbm4b:s18+s7], $0x1, s17, s7, $0xb8;
	[tilespmem:$0x1580] =	vst v63  }
0xbe: {  	s24 =	sor.u32 $0x600, s19;
	s21 =	sadd.s32 $0x30D4, s18  }
0xbf: {  	[tilespmem:s24], [sflag:$0x1] =	stream.indirect.gather [hbm4b:s21+s7], $0x1, s17, s7, $0xb8;
	[tilespmem:$0x1580] =	vst v63  }
0xc0: {  	s25 =	sor.u32 $0x680, s19;
	s26 =	sadd.s32 $0x61A8, s18  }
0xc1: {  	[tilespmem:s25], [sflag:$0x1] =	stream.indirect.gather [hbm4b:s26+s7], $0x1, s17, s7, $0xb8;
	[tilespmem:$0x1580] =	vst v63  }
0xc2: {  	s28 =	sor.u32 $0x700, s19;
	s29 =	sadd.s32 $0x927C, s18  }
0xc3: {  	[tilespmem:s28], [sflag:$0x1] =	stream.indirect.gather [hbm4b:s29+s7], $0x1, s17, s7, $0xb8;
	[tilespmem:$0x1580] =	vst v63  }
0xc4: {  	s30 =	sor.u32 $0x780, s19;
	s31 =	sadd.s32 $0xC350, s18  }
0xc5: {  	[tilespmem:s30], [sflag:$0x1] =	stream.indirect.gather [hbm4b:s31+s7], $0x1, s17, s7, $0xb8;
	[tilespmem:$0x1580] =	vst v63  }
0xc6: {  	s22 =	sadd.s32 $0xF424, s18;
	s21 =	sadd.s32 $0x800, s19  }
0xc7: {  	[tilespmem:s21], [sflag:$0x1] =	stream.indirect.gather [hbm4b:s22+s7], $0x1, s17, s7, $0xb8;
	[tilespmem:$0x1580] =	vst v63  }
0xc8: {  	s23 =	sadd.s32 $0x880, s19;
	s24 =	sadd.s32 $0x124F8, s18  }
0xc9: {  	[tilespmem:s23], [sflag:$0x1] =	stream.indirect.gather [hbm4b:s24+s7], $0x1, s17, s7, $0xb8;
	[tilespmem:$0x1580] =	vst v63  }
0xca: {  	s25 =	sadd.s32 $0x900, s19;
	s26 =	sadd.s32 $0x155CC, s18  }
0xcb: {  	[tilespmem:s25], [sflag:$0x1] =	stream.indirect.gather [hbm4b:s26+s7], $0x1, s17, s7, $0xb8;
	[tilespmem:$0x1580] =	vst v63  }
0xcc: {  	s28 =	sadd.s32 $0x980, s19;
	s29 =	sadd.s32 $0x186A0, s18  }
0xcd: {  	[tilespmem:s28], [sflag:$0x1] =	stream.indirect.gather [hbm4b:s29+s7], $0x1, s17, s7, $0xb8;
	[tilespmem:$0x1580] =	vst v63  }
0xce: {  	s30 =	sadd.s32 $0xA00, s19;
	s31 =	sadd.s32 $0x1B774, s18  }
0xcf: {  	[tilespmem:s30], [sflag:$0x1] =	stream.indirect.gather [hbm4b:s31+s7], $0x1, s17, s7, $0xb8;
	[tilespmem:$0x1580] =	vst v63  }
0xd0: {  	s21 =	sadd.s32 $0xA80, s19;
	s22 =	sadd.s32 $0x1E848, s18  }
0xd1: {  	[tilespmem:s21], [sflag:$0x1] =	stream.indirect.gather [hbm4b:s22+s7], $0x1, s17, s7, $0xb8;
	[tilespmem:$0x1580] =	vst v63  }
0xd2: {  	s23 =	sadd.s32 $0xB00, s19;
	s24 =	sadd.s32 $0x2191C, s18  }
0xd3: {  	[tilespmem:s23], [sflag:$0x1] =	stream.indirect.gather [hbm4b:s24+s7], $0x1, s17, s7, $0xb8;
	[tilespmem:$0x1580] =	vst v63  }
0xd4: {  	s25 =	sadd.s32 $0xB80, s19;
	s26 =	sadd.s32 $0x249F0, s18  }
0xd5: {  	[tilespmem:s25], [sflag:$0x1] =	stream.indirect.gather [hbm4b:s26+s7], $0x1, s17, s7, $0xb8;
	[tilespmem:$0x1580] =	vst v63  }
0xd6: {  	s28 =	sadd.s32 $0xC00, s19;
	s29 =	sadd.s32 $0x27AC4, s18  }
0xd7: {  	[tilespmem:s28], [sflag:$0x1] =	stream.indirect.gather [hbm4b:s29+s7], $0x1, s17, s7, $0xb8;
	[tilespmem:$0x1580] =	vst v63  }
0xd8: {  	s30 =	sadd.s32 $0xC80, s19;
	s31 =	sadd.s32 $0x2AB98, s18  }
0xd9: {  	[tilespmem:s30], [sflag:$0x1] =	stream.indirect.gather [hbm4b:s31+s7], $0x1, s17, s7, $0xb8;
	[tilespmem:$0x1580] =	vst v63  }
0xda: {  	s19 =	sadd.s32 $0xD00, s19;
	s18 =	sadd.s32 $0x2DC6C, s18  }
0xdb: {  	[tilespmem:s19], [sflag:$0x1] =	stream.indirect.gather [hbm4b:s18+s7], $0x1, s17, s7, $0xb8;
	[tilespmem:$0x1580] =	vst v63  }
0xdc: {  	_ =	swait.ge [sflag:s10], $0x80  }
0xdd: {  	[sflag:s10] =	ssyncset.done $0x0  }
0xde: {  	[sflag:s10] =	ssyncadd.s32 $0xFFFFFF80  }
0xdf: {  	_ =	swait.ge [sflag:s10], $0x80  }
0xe0: {  	[sflag:s10] =	ssyncset.done $0x0  }
0xe1: {  	[sflag:s10] =	ssyncadd.s32 $0xFFFFFF80  }
0xe2: {  	_ =	swait.ge [sflag:s10], $0x80  }
0xe3: {  	[sflag:s10] =	ssyncset.done $0x0  }
0xe4: {  	[sflag:s10] =	ssyncadd.s32 $0xFFFFFF80  }
0xe5: {  	_ =	swait.ge [sflag:s10], $0x80  }
0xe6: {  	[sflag:s10] =	ssyncset.done $0x0  }
0xe7: {  	[sflag:s10] =	ssyncadd.s32 $0xFFFFFF80  }
0xe8: {  	_ =	swait.ge [sflag:s10], $0x80  }
0xe9: {  	[sflag:s10] =	ssyncset.done $0x0  }
0xea: {  	[sflag:s10] =	ssyncadd.s32 $0xFFFFFF80  }
0xeb: {  	_ =	swait.ge [sflag:s10], $0x80  }
0xec: {  	[sflag:s10] =	ssyncset.done $0x0  }
0xed: {  	[sflag:s10] =	ssyncadd.s32 $0xFFFFFF80  }
0xee: {  	_ =	swait.ge [sflag:s10], $0x80  }
0xef: {  	[sflag:s10] =	ssyncset.done $0x0  }
0xf0: {  	[sflag:s10] =	ssyncadd.s32 $0xFFFFFF80  }
0xf1: {  	_ =	swait.ge [sflag:s10], $0x80  }
0xf2: {  	[sflag:s10] =	ssyncset.done $0x0  }
0xf3: {  	[sflag:s10] =	ssyncadd.s32 $0xFFFFFF80  }
0xf4: {  	_ =	swait.ge [sflag:s10], $0x80  }
0xf5: {  	[sflag:s10] =	ssyncset.done $0x0  }
0xf6: {  	[sflag:s10] =	ssyncadd.s32 $0xFFFFFF80  }
0xf7: {  	_ =	swait.ge [sflag:s10], $0x80  }
0xf8: {  	[sflag:s10] =	ssyncset.done $0x0  }
0xf9: {  	[sflag:s10] =	ssyncadd.s32 $0xFFFFFF80  }
0xfa: {  	_ =	swait.ge [sflag:s10], $0x80  }
0xfb: {  	[sflag:s10] =	ssyncset.done $0x0  }
0xfc: {  	[sflag:s10] =	ssyncadd.s32 $0xFFFFFF80  }
0xfd: {  	_ =	swait.ge [sflag:s10], $0x80  }
0xfe: {  	[sflag:s10] =	ssyncset.done $0x0  }
0xff: {  	[sflag:s10] =	ssyncadd.s32 $0xFFFFFF80  }
0x100: {  	_ =	swait.ge [sflag:s10], $0x80  }
0x101: {  	[sflag:s10] =	ssyncset.done $0x0  }
0x102: {  	[sflag:s10] =	ssyncadd.s32 $0xFFFFFF80  }
0x103: {  	_ =	swait.ge [sflag:s10], $0x80  }
0x104: {  	[sflag:s10] =	ssyncset.done $0x0  }
0x105: {  	[sflag:s10] =	ssyncadd.s32 $0xFFFFFF80  }
0x106: {  	s14 =	sadd.s32 $0x1, s14;
	_ =	swait.ge [sflag:s10], $0x80  }
0x107: {  	p0 =	sne.s32 s14, $0x4;
	[sflag:s10] =	ssyncset.done $0x0  }
.Ltmp1:
0x108: {  	[sflag:s10] =	ssyncadd.s32 $0xFFFFFF80;
	(pc) =	sbr.rel @p0 .LBB2_2-.Ltmp1, $4  }
0x109: {  	_ =	swait.ge [sflag:s10], $0x80  }
0x10a: {  	[sflag:s10] =	ssyncset.done $0x0  }
0x10b: {  	s13 =	sadd.s32 $0x10, s13;
	s12 =	sadd.s32 $0xB, s12;
	[sflag:s10] =	ssyncadd.s32 $0xFFFFFF80  }
0x10c: {  	[hbm4b:s15+s7] =	stream.strided.scatter [tilespmem:s16], [sflag:$0x2], $0x800, s8, s7, $0x38;
	[tilespmem:$0x1580] =	vst v63  }
0x10d: {  	s2 =	sadd.s32 $0x1, s2  }
0x10e: {  	_ =	swait.ge [sflag:s11], $0x800;
	p0 =	sne.s32 s2, s5  }
.Ltmp2:
0x10f: {  	[sflag:s11] =	ssyncset.done $0x0;
	(pc) =	sbr.rel @p0 .LBB2_1-.Ltmp2, $4  }
0x110: {  	[sflag:s11] =	ssyncadd.s32 $0xFFFFF800  }
0x111: {  	_ =	swait.ge [sflag:s11], $0x800  }
0x112: {  	[sflag:s11] =	ssyncset.done $0x0  }
0x113: {  	[sflag:s11] =	ssyncadd.s32 $0xFFFFF800  }
0x114: {  	_ =	sfence.sel $0x180000  }
0x115: {  	[bflag:$0x0] =	sbarrier.arrive $0xFFFF  }
0x116: {  	p0 =	sne.s32 s1, $0x0;
	_ =	strace $0x9000004A  }
0x117: {  	s0 =	sadd.s32 @!p0 $0x100000, s0;
	[bflag:$0x2] =	sbarrier.arrive $0xFFFF  }
0x118: {  	[sflag:s0] =	ssyncadd.tile.s32 @!p0 $0x1;
	_ =	shalt  }
.Lfunc_end2:
_tile_overlayer_lowered:
.L_overlay_start_2:
0x119: {  	(tag) =	ssettag $0x2  }
0x11a: {  	s0 =	rddreg [dreg:$0x0];
	s2 =	stileid.u32  }
0x11b: {  	s1 =	rddreg [dreg:$0x1];
	p0 =	sne.s32 s2, $0x0  }
0x11c: {  	s3 =	rddreg [dreg:$0x2];
	[bflag:$0x3] =	sbarrier.arrive $0xFFFF;
	s2 =	simm.s32 @!p0 $0x1C03  }
0x11d: {  	[timem:s3], [sflag:s2] =	dma.local @!p0 [hbm:s0], s1  }
0x11e: {  	s0 =	simm.s32 @!p0 $0x3  }
0x11f: {  	_ =	swait.ge @!p0 [sflag:s0], s1  }
0x120: {  	s1 =	ssub.s32 @!p0 $0x0, s1;
	[sflag:s0] =	ssyncset.done @!p0 $0x0  }
0x121: {  	[sflag:s0] =	ssyncadd.s32 @!p0 s1  }
0x122: {  	[bflag:$0x3] =	sbarrier.arrive $0xFFFF  }
0x123: {  	_ =	shalt  }

// kernel: kernel.7.cloned.1.call-start
scs
__scs_entry_jumppad:
0x0: {  	(pc) =	sbr.rel $0x88, $3  }
0x1: {  	(tag) =	ssettag $0x0;
	lr =	simm.s32 $0x1  }
0x2: {  	[smem:$0x3F9F] =	sst lr;
	_ =	strace $0xD0000000  }
0x3: {  	_ = 	snop  }
0x4: {  	_ = 	snop  }
0x5: {  	_ = 	snop  }
0x6: {  	_ = 	snop  }
0x7: {  	_ = 	snop  }
__scs_overlays_trampoline_lowered:
0x8: {  	[smem:$0x3FAE] =	sst s0  }
0x9: {  	[smem:$0x3FAF] =	sst s1  }
0xa: {  	[smem:$0x3FB0] =	sst s2  }
0xb: {  	[smem:$0x3FB1] =	sst s3  }
0xc: {  	[smem:$0x3FB2] =	sst s4  }
0xd: {  	[smem:$0x3FB3] =	sst s5  }
0xe: {  	[smem:$0x3FB4] =	sst s6  }
0xf: {  	[smem:$0x3FB5] =	sst s7  }
0x10: {  	[smem:$0x3FB6] =	sst s8  }
0x11: {  	[smem:$0x3FB7] =	sst s9;
	s0 =	simm.s32 @!p0 $0x0  }
0x12: {  	s1 =	sld [smem:$0x3F9D];
	s0 =	simm.s32 @p0 $0x1  }
0x13: {  	[smem:$0x3FB8] =	sst s0;
	s0 =	simm.s32 @!p1 $0x0  }
0x14: {  	s2 =	sld [smem:$0x3F9C];
	s0 =	simm.s32 @p1 $0x1  }
0x15: {  	[smem:$0x3FB9] =	sst s0;
	s0 =	simm.s32 @!p2 $0x0  }
0x16: {  	s3 =	sld [smem:$0x3FDB];
	s0 =	simm.s32 @p2 $0x1  }
0x17: {  	s4 =	simm.s32 $0x1BF5;
	[smem:$0x3FBB] =	sst s0  }
0x18: {  	s0 =	sld [smem:$0x3F9E];
	_ =	swait.ge [sflag:s4], $0x0  }
0x19: {  	s7 =	sld [smem:$0x3F9F]  }
0x1a: {  	s8 =	sadd.s32 $0xFFFFE003, lr  }
0x1b: {  	s9 =	sadd.s32 $0xFFFFFEF7, lr;
	s5 =	simm.s32 $0xFFFFFFFF;
	p2 =	slt.u32 s8, $0xFFFFF086  }
0x1c: {  	p1 =	slt.u32 s9, $0xF7A;
	s5 =	simm.s32 @!p2 $0x0  }
0x1d: {  	s5 =	simm.s32 @p1 $0x1;
	p0 =	seq.s32 s7, s2  }
0x1e: {  	s7 =	smul.u32 @!p0 $0xF7A, s2;
	p2 =	seq.s32 @!p0 s5, $0x0  }
0x1f: {  	s9 =	smul.u32 $0xF7A, s1;
	s8 =	simm.s32 @!p0 $0x1BF5;
	p2 =	por !p2, p0  }
0x20: {  	[sflag:s8] =	ssyncset.s32 @!p0 $0xFFFFF086;
	s6 =	sadd.s32 @!p0 s3, s7;
	s7 =	simm.s32 @!p0 $0x108  }
0x21: {  	s3 =	sadd.s32 s3, s9;
	s6 =	sadd.s32 @!p0 $0x88, s6;
	s7 =	simm.s32 @p2 $0x1082  }
0x22: {  	[simem:s7], [sflag:s8] =	dma.local @!p0 [hbm:s6], $0xF7A  }
0x23: {  	s9 =	sor.u32 $0xD0000000, s2;
	s6 =	simm.s32 $0x108;
	_ =	swait.ge @!p0 [sflag:s8], $0x0  }
0x24: {  	s3 =	sadd.s32 $0x88, s3;
	s6 =	simm.s32 @!p1 $0x1082;
	[sflag:s4] =	ssyncset.s32 $0xFFFFF086  }
0x25: {  	[simem:s6], [sflag:s4] =	dma.local [hbm:s3], $0xF7A  }
0x26: {  	[smem:$0x3F9F] =	sst s1;
	(tag) =	ssettag s2;
	_ =	strace s9  }
0x27: {  	s1 =	sld [smem:$0x3FAF]  }
0x28: {  	s2 =	sld [smem:$0x3FB0]  }
0x29: {  	s4 =	sld [smem:$0x3FB2]  }
0x2a: {  	p0 =	seq.s32 s5, $0x0;
	s5 =	sld [smem:$0x3FB3]  }
0x2b: {  	s6 =	sld [smem:$0x3FB4]  }
0x2c: {  	s7 =	sld [smem:$0x3FB5]  }
0x2d: {  	s3 =	simm.s32 $0x108;
	s8 =	sld [smem:$0x3FB6]  }
0x2e: {  	s3 =	simm.s32 @!p0 $0x1082;
	s9 =	sld [smem:$0x3FB7]  }
0x2f: {  	lr =	sadd.s32 s0, s3;
	s0 =	sld [smem:$0x3FAE]  }
0x30: {  	s3 =	sld [smem:$0x3FB1]  }
0x31: {  	[smem:$0x3FBA] =	sst s10  }
0x32: {  	s10 =	sld [smem:$0x3FB8];
	_ =	sdelay $0x3  }
0x33: {  	p0 =	seq.s32 s10, $0x1;
	s10 =	sld [smem:$0x3FBA];
	_ =	sdelay $0x3  }
0x34: {  	[smem:$0x3FBA] =	sst s10  }
0x35: {  	s10 =	sld [smem:$0x3FB9];
	_ =	sdelay $0x3  }
0x36: {  	p1 =	seq.s32 s10, $0x1;
	s10 =	sld [smem:$0x3FBA];
	_ =	sdelay $0x3  }
0x37: {  	[smem:$0x3FBA] =	sst s10  }
0x38: {  	s10 =	sld [smem:$0x3FBB]  }
0x39: {  	_ = 	snop;
	(pc) =	sbr.ind lr, $3  }
0x3a: {  	_ = 	snop  }
0x3b: {  	_ = 	snop  }
0x3c: {  	p2 =	seq.s32 s10, $0x1;
	s10 =	sld [smem:$0x3FBA]  }
0x3d: {  	_ =	shalt  }
0x3e: {  	_ =	shalt  }
0x3f: {  	_ =	shalt  }
0x40: {  	_ =	shalt  }
0x41: {  	_ =	shalt  }
0x42: {  	_ =	shalt  }
0x43: {  	_ =	shalt  }
0x44: {  	_ =	shalt  }
0x45: {  	_ =	shalt  }
0x46: {  	_ =	shalt  }
0x47: {  	_ =	shalt  }
0x48: {  	_ =	shalt  }
0x49: {  	_ =	shalt  }
0x4a: {  	_ =	shalt  }
0x4b: {  	_ =	shalt  }
0x4c: {  	_ =	shalt  }
0x4d: {  	_ =	shalt  }
0x4e: {  	_ =	shalt  }
0x4f: {  	_ =	shalt  }
0x50: {  	_ =	shalt  }
0x51: {  	_ =	shalt  }
0x52: {  	_ =	shalt  }
0x53: {  	_ =	shalt  }
0x54: {  	_ =	shalt  }
0x55: {  	_ =	shalt  }
0x56: {  	_ =	shalt  }
0x57: {  	_ =	shalt  }
0x58: {  	_ =	shalt  }
0x59: {  	_ =	shalt  }
0x5a: {  	_ =	shalt  }
0x5b: {  	_ =	shalt  }
0x5c: {  	_ =	shalt  }
0x5d: {  	_ =	shalt  }
0x5e: {  	_ =	shalt  }
0x5f: {  	_ =	shalt  }
0x60: {  	_ =	shalt  }
0x61: {  	_ =	shalt  }
0x62: {  	_ =	shalt  }
0x63: {  	_ =	shalt  }
0x64: {  	_ =	shalt  }
0x65: {  	_ =	shalt  }
0x66: {  	_ =	shalt  }
0x67: {  	_ =	shalt  }
0x68: {  	_ =	shalt  }
0x69: {  	_ =	shalt  }
0x6a: {  	_ =	shalt  }
0x6b: {  	_ =	shalt  }
0x6c: {  	_ =	shalt  }
0x6d: {  	_ =	shalt  }
0x6e: {  	_ =	shalt  }
0x6f: {  	_ =	shalt  }
0x70: {  	_ =	shalt  }
0x71: {  	_ =	shalt  }
0x72: {  	_ =	shalt  }
0x73: {  	_ =	shalt  }
0x74: {  	_ =	shalt  }
0x75: {  	_ =	shalt  }
0x76: {  	_ =	shalt  }
0x77: {  	_ =	shalt  }
0x78: {  	_ =	shalt  }
0x79: {  	_ =	shalt  }
0x7a: {  	_ =	shalt  }
0x7b: {  	_ =	shalt  }
0x7c: {  	_ =	shalt  }
0x7d: {  	_ =	shalt  }
0x7e: {  	_ =	shalt  }
0x7f: {  	_ =	shalt  }
0x80: {  	_ =	shalt  }
0x81: {  	_ =	shalt  }
0x82: {  	_ =	shalt  }
0x83: {  	_ =	shalt  }
0x84: {  	_ =	shalt  }
0x85: {  	_ =	shalt  }
0x86: {  	_ =	shalt  }
0x87: {  	_ =	shalt  }
.Lfunc_end0:
.L_simem_size_0:
called_computation.1_lowered:
.L_overlay_start_0:
0x88: {  	s2 =	sld [smem:$0x3FD9]  }
0x89: {  	s3 =	sld [smem:$0x3FFE];
	_ =	sdelay $0x1  }
0x8a: {  	s1 =	srdreg.scid  }
0x8b: {  	s0 =	sand.u32 $0x1, s1  }
0x8c: {  	s17 =	sshll.u32 s0, $0xA;
	s2 =	sadd.s32 s3, s2  }
0x8d: {  	s2 =	sadd.s32 s2, s17  }
0x8e: {  	[smem:$0x3FC6] =	sst s2  }
0x8f: {  	_ = 	snop  }
0x90: {  	s2 =	sld [smem:$0x3FD0];
	(tm) =	ssettm $0x1  }
0x91: {  	s18 =	sld [smem:$0x3FFB];
	_ =	sdelay $0x3  }
0x92: {  	_ =	strace s18  }
0x93: {  	s3 =	sld [smem:$0x3FFC];
	_ =	sdelay $0x3  }
0x94: {  	_ =	strace s3  }
0x95: {  	s3 =	sld [smem:$0x3FFD];
	_ =	sdelay $0x3  }
0x96: {  	_ =	strace s3  }
0x97: {  	_ =	strace $0x8FFFFFFF  }
0x98: {  	s19 =	sld [smem:$0x3FDB];
	_ =	sdelay $0x1  }
0x99: {  	s4 =	simm.s32 $_scs_section_size  }
0x9a: {  	s5 =	simm.s32 $_size__tile_overlayer_lowered;
	s6 =	simm.s32 $_tile_overlayer_lowered  }
0x9b: {  	s22 =	simm.s32 $0x1BFF;
	s21 =	sshll.u32 s6, $0x1;
	s3 =	sadd.s32 s4, s19  }
0x9c: {  	s7 =	simm.s32 $0x0;
	s20 =	sshll.u32 s5, $0x1;
	s5 =	sadd.s32 s21, s3  }
0x9d: {  	[timem:s7], [sflag:s22] =	dma.local [hbm:s5], s20  }
0x9e: {  	_ =	swait.ge [sflag:s22], s20  }
0x9f: {  	s4 =	ssub.s32 $0x0, s20;
	[sflag:s22] =	ssyncset.done $0x0  }
0xa0: {  	[sflag:s22] =	ssyncadd.s32 s4;
	_ =	sdelay $0x1  }
0xa1: {  	s23 =	simm.s32 $0x1B8B  }
0xa2: {  	_ =	swait.ge [sflag:s23], $0x1  }
0xa3: {  	[sflag:s23] =	ssyncset.done $0x0  }
0xa4: {  	s25 =	simm.s32 $0x1B8E;
	s24 =	sld [smem:$0x3FFE];
	[sflag:s23] =	ssyncadd.s32 $0xFFFFFFFF  }
0xa5: {  	s26 =	simm.s32 $execute0_lowered;
	[smem:$0x3FD2] =	sst s25  }
0xa6: {  	s5 =	sshll.u32 s26, $0x1;
	_ =	strace $0x80000046;
	[dreg:$0x1] =	wrdreg $0xFFFFFFFF  }
0xa7: {  	s28 =	simm.s32 $_size_execute0_lowered;
	s3 =	sadd.s32 s3, s5;
	[dreg:$0x0] =	wrdreg $0x0  }
0xa8: {  	s5 =	sshll.u32 s28, $0x1;
	[dreg:$0x2] =	wrdreg s3  }
0xa9: {  	[dreg:$0x3] =	wrdreg s5  }
0xaa: {  	[dreg:$0x4] =	wrdreg $0xC0  }
0xab: {  	_ =	task [dreg:s7], $0x5FFFF  }
0xac: {  	[dreg:$0x1] =	wrdreg $0xFFFFFFFF  }
0xad: {  	[dreg:$0x0] =	wrdreg $0x60  }
0xae: {  	[dreg:$0x2] =	wrdreg s24  }
0xaf: {  	[dreg:$0x3] =	wrdreg s2  }
0xb0: {  	[dreg:$0x4] =	wrdreg $0xA  }
0xb1: {  	_ =	task.clear_ibuf [dreg:s7], $0x5FFFF;
	_ =	strace $0x90000046  }
0xb2: {  	s29 =	simm.s32 $0xA;
	_ =	strace $0x80000048  }
0xb3: {  	_ =	swait.ge [sflag:s29], $0x1  }
0xb4: {  	[sflag:s29] =	ssyncadd.s32 $0xFFFFFFFF  }
0xb5: {  	_ =	strace $0x90000048  }
0xb6: {  	_ =	sfence  }
0xb7: {  	s30 =	sld [smem:$0x0];
	_ =	sdelay $0x2  }
0xb8: {  	s31 =	sshll.u32 s1, $0xD;
	s1 =	sshrl.u32 s1, $0x2  }
0xb9: {  	s3 =	sand.u32 $0x4000, s31;
	s1 =	sadd.s32 s1, s30  }
0xba: {  	s0 =	sor.u32 s3, s0;
	s1 =	sshll.u32 s1, $0x11  }
0xbb: {  	s0 =	sor.u32 s1, s0  }
0xbc: {  	s0 =	sadd.s32 $0x8F2B, s0  }
0xbd: {  	[sflag:s0] =	ssyncadd.remote.s32 $0x1  }
0xbe: {  	_ =	sfence.sel $0xFFFF  }
0xbf: {  	[dreg:$0x0] =	wrdreg $0xFFFFFFFF;
	(pc) =	sbr.abs _section_cstart, $3  }
0xc0: {  	[dreg:$0x1] =	wrdreg $0xFFFFFFFF  }
0xc1: {  	_ =	task.clear_ibuf [dreg:s7], $0x2FFFF;
	_ =	strace $0x9FFFFFFF  }
0xc2: {  	(tm) =	ssettm $0x7FFFFFFF  }
0xc3: {  	_ =	shalt  }
tec
execute0_lowered:
.L_overlay_start_1:
0x0: {  	(tag) =	ssettag $0x1  }
0x1: {  	s4 =	rddreg [dreg:$0x0]  }
0x2: {  	s6 =	rddreg [dreg:$0x1]  }
0x3: {  	s0 =	rddreg [dreg:$0x2];
	s1 =	simm.s32 $0x0;
	s2 =	srdreg.scid  }
0x4: {  	s11 =	simm.s32 $0x2;
	[smem:$0x7FF] =	sst s1;
	s5 =	sand.u32 $0x1, s2  }
0x5: {  	s3 =	sadd.s32 $0xA00, s4;
	s2 =	stileid.u32;
	s10 =	sadd.s32 $0x2DDC00, s4  }
0x6: {  	_ =	strace $0x80000047;
	s7 =	ssub.s32 $0x2, s5;
	s9 =	sshll.u32 s2, $0xA  }
0x7: {  	s5 =	sshll.u32 s5, $0x9;
	[dreg:$0x3] =	wrdreg s10;
	s10 =	simm.s32 $0x1  }
0x8: {  	s8 =	sshrl.u32 s7, $0x1;
	s4 =	sor.u32 s5, s9;
	s9 =	simm.s32 $0x3  }
0x9: {  	s7 =	ssub.s32 s7, s8;
	s31 =	sshrl.u32 s4, $0x3;
	s8 =	simm.s32 $0x4000  }
0xa: {  	s5 =	smax.u32 s7, $0x1;
	s6 =	sadd.s32 s31, s6;
	s7 =	simm.s32 $0x80  }
.LBB2_1:
0xb: {  	s12 =	simm.s32 $0x0;
	s13 =	smov.u32 s6;
	s14 =	simm.s32 $0x0  }
.LBB2_2:
0xc: {  	s15 =	sshll.u32 s14, $0x7  }
0xd: {  	s15 =	sadd.s32 s4, s15  }
0xe: {  	s15 =	sshrl.u32 s15, $0x3  }
0xf: {  	s17 =	simm.s32 $0x0;
	s15 =	sadd.s32 s3, s15  }
0x10: {  	[tilespmem:s17], [sflag:$0x3] =	stream.strided.gather [hbm4b:s15+s7], $0x780, s8, s7, $0x38;
	[tilespmem:$0x1780] =	vst v63  }
0x11: {  	_ =	swait.ge [sflag:s9], $0x780  }
0x12: {  	p0 =	slt.u32 s12, $0x2;
	[sflag:s9] =	ssyncset.done $0x0  }
0x13: {  	s15 =	simm.s32 @!p0 $0x2;
	[sflag:s9] =	ssyncadd.s32 $0xFFFFF880  }
0x14: {  	_ =	swait.ge @!p0 [sflag:s15], $0x800  }
0x15: {  	s19 =	sand.u32 $0x800, s17;
	s18 =	rddreg [dreg:$0x3];
	[sflag:s15] =	ssyncset.done @!p0 $0x0  }
0x16: {  	s16 =	sor.u32 $0x780, s19;
	[sflag:s15] =	ssyncadd.s32 @!p0 $0xFFFFF800;
	s15 =	sadd.s32 $0x0, s18  }
0x17: {  	[tilespmem:s16], [sflag:$0x1] =	stream.indirect.gather [hbm4b:s15+s7], $0x1, s17, s7, $0xb8;
	[tilespmem:$0x1780] =	vst v63  }
0x18: {  	s24 =	sadd.s32 $0x800, s19;
	s20 =	sadd.s32 $0x30D4, s15  }
0x19: {  	[tilespmem:s24], [sflag:$0x1] =	stream.indirect.gather [hbm4b:s20+s7], $0x1, s17, s7, $0xb8;
	[tilespmem:$0x1780] =	vst v63  }
0x1a: {  	s25 =	sadd.s32 $0x880, s19;
	s26 =	sadd.s32 $0x61A8, s15  }
0x1b: {  	[tilespmem:s25], [sflag:$0x1] =	stream.indirect.gather [hbm4b:s26+s7], $0x1, s17, s7, $0xb8;
	[tilespmem:$0x1780] =	vst v63  }
0x1c: {  	s28 =	sadd.s32 $0x900, s19;
	s29 =	sadd.s32 $0x927C, s15  }
0x1d: {  	[tilespmem:s28], [sflag:$0x1] =	stream.indirect.gather [hbm4b:s29+s7], $0x1, s17, s7, $0xb8;
	[tilespmem:$0x1780] =	vst v63  }
0x1e: {  	s30 =	sadd.s32 $0x980, s19;
	s31 =	sadd.s32 $0xC350, s15  }
0x1f: {  	[tilespmem:s30], [sflag:$0x1] =	stream.indirect.gather [hbm4b:s31+s7], $0x1, s17, s7, $0xb8;
	[tilespmem:$0x1780] =	vst v63  }
0x20: {  	s21 =	sadd.s32 $0xA00, s19;
	s22 =	sadd.s32 $0xF424, s15  }
0x21: {  	[tilespmem:s21], [sflag:$0x1] =	stream.indirect.gather [hbm4b:s22+s7], $0x1, s17, s7, $0xb8;
	[tilespmem:$0x1780] =	vst v63  }
0x22: {  	s23 =	sadd.s32 $0xA80, s19;
	s24 =	sadd.s32 $0x124F8, s15  }
0x23: {  	[tilespmem:s23], [sflag:$0x1] =	stream.indirect.gather [hbm4b:s24+s7], $0x1, s17, s7, $0xb8;
	[tilespmem:$0x1780] =	vst v63  }
0x24: {  	s25 =	sadd.s32 $0xB00, s19;
	s26 =	sadd.s32 $0x155CC, s15  }
0x25: {  	[tilespmem:s25], [sflag:$0x1] =	stream.indirect.gather [hbm4b:s26+s7], $0x1, s17, s7, $0xb8;
	[tilespmem:$0x1780] =	vst v63  }
0x26: {  	s28 =	sadd.s32 $0xB80, s19;
	s29 =	sadd.s32 $0x186A0, s15  }
0x27: {  	[tilespmem:s28], [sflag:$0x1] =	stream.indirect.gather [hbm4b:s29+s7], $0x1, s17, s7, $0xb8;
	[tilespmem:$0x1780] =	vst v63  }
0x28: {  	s30 =	sadd.s32 $0xC00, s19;
	s31 =	sadd.s32 $0x1B774, s15  }
0x29: {  	[tilespmem:s30], [sflag:$0x1] =	stream.indirect.gather [hbm4b:s31+s7], $0x1, s17, s7, $0xb8;
	[tilespmem:$0x1780] =	vst v63  }
0x2a: {  	s20 =	sadd.s32 $0xC80, s19;
	s21 =	sadd.s32 $0x1E848, s15  }
0x2b: {  	[tilespmem:s20], [sflag:$0x1] =	stream.indirect.gather [hbm4b:s21+s7], $0x1, s17, s7, $0xb8;
	[tilespmem:$0x1780] =	vst v63  }
0x2c: {  	s22 =	sadd.s32 $0xD00, s19;
	s23 =	sadd.s32 $0x2191C, s15  }
0x2d: {  	[tilespmem:s22], [sflag:$0x1] =	stream.indirect.gather [hbm4b:s23+s7], $0x1, s17, s7, $0xb8;
	[tilespmem:$0x1780] =	vst v63  }
0x2e: {  	s24 =	sadd.s32 $0xD80, s19;
	s25 =	sadd.s32 $0x249F0, s15  }
0x2f: {  	[tilespmem:s24], [sflag:$0x1] =	stream.indirect.gather [hbm4b:s25+s7], $0x1, s17, s7, $0xb8;
	[tilespmem:$0x1780] =	vst v63  }
0x30: {  	s26 =	sadd.s32 $0xE00, s19;
	s28 =	sadd.s32 $0x27AC4, s15  }
0x31: {  	[tilespmem:s26], [sflag:$0x1] =	stream.indirect.gather [hbm4b:s28+s7], $0x1, s17, s7, $0xb8;
	[tilespmem:$0x1780] =	vst v63  }
0x32: {  	s29 =	sadd.s32 $0xE80, s19;
	s30 =	sadd.s32 $0x2AB98, s15  }
0x33: {  	[tilespmem:s29], [sflag:$0x1] =	stream.indirect.gather [hbm4b:s30+s7], $0x1, s17, s7, $0xb8;
	[tilespmem:$0x1780] =	vst v63  }
0x34: {  	s31 =	sadd.s32 $0xF00, s19;
	s15 =	sadd.s32 $0x2DC6C, s15  }
0x35: {  	[tilespmem:s31], [sflag:$0x1] =	stream.indirect.gather [hbm4b:s15+s7], $0x1, s17, s7, $0xb8;
	[tilespmem:$0x1780] =	vst v63  }
0x36: {  	_ =	swait.ge [sflag:s10], $0x80  }
0x37: {  	[sflag:s10] =	ssyncset.done $0x0  }
0x38: {  	[sflag:s10] =	ssyncadd.s32 $0xFFFFFF80  }
0x39: {  	_ =	swait.ge [sflag:s10], $0x80  }
0x3a: {  	[sflag:s10] =	ssyncset.done $0x0  }
0x3b: {  	[sflag:s10] =	ssyncadd.s32 $0xFFFFFF80  }
0x3c: {  	_ =	swait.ge [sflag:s10], $0x80  }
0x3d: {  	[sflag:s10] =	ssyncset.done $0x0  }
0x3e: {  	[sflag:s10] =	ssyncadd.s32 $0xFFFFFF80  }
0x3f: {  	_ =	swait.ge [sflag:s10], $0x80  }
0x40: {  	[sflag:s10] =	ssyncset.done $0x0  }
0x41: {  	[sflag:s10] =	ssyncadd.s32 $0xFFFFFF80  }
0x42: {  	_ =	swait.ge [sflag:s10], $0x80  }
0x43: {  	[sflag:s10] =	ssyncset.done $0x0  }
0x44: {  	[sflag:s10] =	ssyncadd.s32 $0xFFFFFF80  }
0x45: {  	_ =	swait.ge [sflag:s10], $0x80  }
0x46: {  	[sflag:s10] =	ssyncset.done $0x0  }
0x47: {  	[sflag:s10] =	ssyncadd.s32 $0xFFFFFF80  }
0x48: {  	_ =	swait.ge [sflag:s10], $0x80  }
0x49: {  	[sflag:s10] =	ssyncset.done $0x0  }
0x4a: {  	[sflag:s10] =	ssyncadd.s32 $0xFFFFFF80  }
0x4b: {  	_ =	swait.ge [sflag:s10], $0x80  }
0x4c: {  	[sflag:s10] =	ssyncset.done $0x0  }
0x4d: {  	[sflag:s10] =	ssyncadd.s32 $0xFFFFFF80  }
0x4e: {  	_ =	swait.ge [sflag:s10], $0x80  }
0x4f: {  	[sflag:s10] =	ssyncset.done $0x0  }
0x50: {  	[sflag:s10] =	ssyncadd.s32 $0xFFFFFF80  }
0x51: {  	_ =	swait.ge [sflag:s10], $0x80  }
0x52: {  	[sflag:s10] =	ssyncset.done $0x0  }
0x53: {  	[sflag:s10] =	ssyncadd.s32 $0xFFFFFF80  }
0x54: {  	_ =	swait.ge [sflag:s10], $0x80  }
0x55: {  	[sflag:s10] =	ssyncset.done $0x0  }
0x56: {  	[sflag:s10] =	ssyncadd.s32 $0xFFFFFF80  }
0x57: {  	_ =	swait.ge [sflag:s10], $0x80  }
0x58: {  	[sflag:s10] =	ssyncset.done $0x0  }
0x59: {  	[sflag:s10] =	ssyncadd.s32 $0xFFFFFF80  }
0x5a: {  	_ =	swait.ge [sflag:s10], $0x80  }
0x5b: {  	[sflag:s10] =	ssyncset.done $0x0  }
0x5c: {  	[sflag:s10] =	ssyncadd.s32 $0xFFFFFF80  }
0x5d: {  	_ =	swait.ge [sflag:s10], $0x80  }
0x5e: {  	[sflag:s10] =	ssyncset.done $0x0  }
0x5f: {  	[sflag:s10] =	ssyncadd.s32 $0xFFFFFF80  }
0x60: {  	_ =	swait.ge [sflag:s10], $0x80  }
0x61: {  	s18 =	simm.s32 $0x30D40;
	s19 =	simm.s32 $0x800;
	[sflag:s10] =	ssyncset.done $0x0  }
0x62: {  	s20 =	simm.s32 $0x61A80;
	s21 =	sadd.s32 $0x1, s12;
	[sflag:s10] =	ssyncadd.s32 $0xFFFFFF80  }
0x63: {  	p1 =	slt.u32 s21, $0x2;
	s22 =	smov.u32 s13;
	_ =	swait.ge [sflag:s10], $0x80  }
0x64: {  	s17 =	simm.s32 $0x80;
	s15 =	sadd.s32 $0x8000, s13;
	[sflag:s10] =	ssyncset.done $0x0  }
.LBB2_3:
0x65: {  	s24 =	simm.s32 @!p1 $0x2;
	[sflag:s10] =	ssyncadd.s32 $0xFFFFFF80  }
0x66: {  	[hbm4b:s22+s7] =	stream.strided.scatter [tilespmem:s16], [sflag:$0x2], $0x800, s8, s7, $0x38;
	[tilespmem:$0x1780] =	vst v63  }
0x67: {  	_ =	swait.ge @!p1 [sflag:s24], $0x800  }
0x68: {  	s23 =	sand.u32 $0x800, s19;
	s26 =	rddreg [dreg:$0x3];
	[sflag:s24] =	ssyncset.done @!p1 $0x0  }
0x69: {  	s16 =	sor.u32 $0x780, s23;
	[sflag:s24] =	ssyncadd.s32 @!p1 $0xFFFFF800;
	s24 =	sadd.s32 s18, s26  }
0x6a: {  	[tilespmem:s16], [sflag:$0x1] =	stream.indirect.gather [hbm4b:s24+s7], $0x1, s17, s7, $0xb8;
	[tilespmem:$0x1780] =	vst v63  }
0x6b: {  	s29 =	sadd.s32 $0x800, s23;
	s28 =	sadd.s32 $0x30D4, s24  }
0x6c: {  	[tilespmem:s29], [sflag:$0x1] =	stream.indirect.gather [hbm4b:s28+s7], $0x1, s17, s7, $0xb8;
	[tilespmem:$0x1780] =	vst v63  }
0x6d: {  	s30 =	sadd.s32 $0x880, s23;
	s31 =	sadd.s32 $0x61A8, s24  }
0x6e: {  	[tilespmem:s30], [sflag:$0x1] =	stream.indirect.gather [hbm4b:s31+s7], $0x1, s17, s7, $0xb8;
	[tilespmem:$0x1780] =	vst v63  }
0x6f: {  	s28 =	sadd.s32 $0x900, s23;
	s29 =	sadd.s32 $0x927C, s24  }
0x70: {  	[tilespmem:s28], [sflag:$0x1] =	stream.indirect.gather [hbm4b:s29+s7], $0x1, s17, s7, $0xb8;
	[tilespmem:$0x1780] =	vst v63  }
0x71: {  	s30 =	sadd.s32 $0x980, s23;
	s31 =	sadd.s32 $0xC350, s24  }
0x72: {  	[tilespmem:s30], [sflag:$0x1] =	stream.indirect.gather [hbm4b:s31+s7], $0x1, s17, s7, $0xb8;
	[tilespmem:$0x1780] =	vst v63  }
0x73: {  	s28 =	sadd.s32 $0xA00, s23;
	s29 =	sadd.s32 $0xF424, s24  }
0x74: {  	[tilespmem:s28], [sflag:$0x1] =	stream.indirect.gather [hbm4b:s29+s7], $0x1, s17, s7, $0xb8;
	[tilespmem:$0x1780] =	vst v63  }
0x75: {  	s30 =	sadd.s32 $0xA80, s23;
	s31 =	sadd.s32 $0x124F8, s24  }
0x76: {  	[tilespmem:s30], [sflag:$0x1] =	stream.indirect.gather [hbm4b:s31+s7], $0x1, s17, s7, $0xb8;
	[tilespmem:$0x1780] =	vst v63  }
0x77: {  	s28 =	sadd.s32 $0xB00, s23;
	s29 =	sadd.s32 $0x155CC, s24  }
0x78: {  	[tilespmem:s28], [sflag:$0x1] =	stream.indirect.gather [hbm4b:s29+s7], $0x1, s17, s7, $0xb8;
	[tilespmem:$0x1780] =	vst v63  }
0x79: {  	s30 =	sadd.s32 $0xB80, s23;
	s31 =	sadd.s32 $0x186A0, s24  }
0x7a: {  	[tilespmem:s30], [sflag:$0x1] =	stream.indirect.gather [hbm4b:s31+s7], $0x1, s17, s7, $0xb8;
	[tilespmem:$0x1780] =	vst v63  }
0x7b: {  	s28 =	sadd.s32 $0xC00, s23;
	s29 =	sadd.s32 $0x1B774, s24  }
0x7c: {  	[tilespmem:s28], [sflag:$0x1] =	stream.indirect.gather [hbm4b:s29+s7], $0x1, s17, s7, $0xb8;
	[tilespmem:$0x1780] =	vst v63  }
0x7d: {  	s30 =	sadd.s32 $0xC80, s23;
	s31 =	sadd.s32 $0x1E848, s24  }
0x7e: {  	[tilespmem:s30], [sflag:$0x1] =	stream.indirect.gather [hbm4b:s31+s7], $0x1, s17, s7, $0xb8;
	[tilespmem:$0x1780] =	vst v63  }
0x7f: {  	s28 =	sadd.s32 $0xD00, s23;
	s29 =	sadd.s32 $0x2191C, s24  }
0x80: {  	[tilespmem:s28], [sflag:$0x1] =	stream.indirect.gather [hbm4b:s29+s7], $0x1, s17, s7, $0xb8;
	[tilespmem:$0x1780] =	vst v63  }
0x81: {  	s30 =	sadd.s32 $0xD80, s23;
	s31 =	sadd.s32 $0x249F0, s24  }
0x82: {  	[tilespmem:s30], [sflag:$0x1] =	stream.indirect.gather [hbm4b:s31+s7], $0x1, s17, s7, $0xb8;
	[tilespmem:$0x1780] =	vst v63  }
0x83: {  	s28 =	sadd.s32 $0xE00, s23;
	s29 =	sadd.s32 $0x27AC4, s24  }
0x84: {  	[tilespmem:s28], [sflag:$0x1] =	stream.indirect.gather [hbm4b:s29+s7], $0x1, s17, s7, $0xb8;
	[tilespmem:$0x1780] =	vst v63  }
0x85: {  	s30 =	sadd.s32 $0xE80, s23;
	s31 =	sadd.s32 $0x2AB98, s24  }
0x86: {  	[tilespmem:s30], [sflag:$0x1] =	stream.indirect.gather [hbm4b:s31+s7], $0x1, s17, s7, $0xb8;
	[tilespmem:$0x1780] =	vst v63  }
0x87: {  	s23 =	sadd.s32 $0xF00, s23;
	s24 =	sadd.s32 $0x2DC6C, s24  }
0x88: {  	[tilespmem:s23], [sflag:$0x1] =	stream.indirect.gather [hbm4b:s24+s7], $0x1, s17, s7, $0xb8;
	[tilespmem:$0x1780] =	vst v63  }
0x89: {  	_ =	swait.ge [sflag:s10], $0x80  }
0x8a: {  	[sflag:s10] =	ssyncset.done $0x0  }
0x8b: {  	[sflag:s10] =	ssyncadd.s32 $0xFFFFFF80  }
0x8c: {  	_ =	swait.ge [sflag:s10], $0x80  }
0x8d: {  	[sflag:s10] =	ssyncset.done $0x0  }
0x8e: {  	[sflag:s10] =	ssyncadd.s32 $0xFFFFFF80  }
0x8f: {  	_ =	swait.ge [sflag:s10], $0x80  }
0x90: {  	[sflag:s10] =	ssyncset.done $0x0  }
0x91: {  	[sflag:s10] =	ssyncadd.s32 $0xFFFFFF80  }
0x92: {  	_ =	swait.ge [sflag:s10], $0x80  }
0x93: {  	[sflag:s10] =	ssyncset.done $0x0  }
0x94: {  	[sflag:s10] =	ssyncadd.s32 $0xFFFFFF80  }
0x95: {  	_ =	swait.ge [sflag:s10], $0x80  }
0x96: {  	[sflag:s10] =	ssyncset.done $0x0  }
0x97: {  	[sflag:s10] =	ssyncadd.s32 $0xFFFFFF80  }
0x98: {  	_ =	swait.ge [sflag:s10], $0x80  }
0x99: {  	[sflag:s10] =	ssyncset.done $0x0  }
0x9a: {  	[sflag:s10] =	ssyncadd.s32 $0xFFFFFF80  }
0x9b: {  	_ =	swait.ge [sflag:s10], $0x80  }
0x9c: {  	[sflag:s10] =	ssyncset.done $0x0  }
0x9d: {  	[sflag:s10] =	ssyncadd.s32 $0xFFFFFF80  }
0x9e: {  	_ =	swait.ge [sflag:s10], $0x80  }
0x9f: {  	[sflag:s10] =	ssyncset.done $0x0  }
0xa0: {  	[sflag:s10] =	ssyncadd.s32 $0xFFFFFF80  }
0xa1: {  	_ =	swait.ge [sflag:s10], $0x80  }
0xa2: {  	[sflag:s10] =	ssyncset.done $0x0  }
0xa3: {  	[sflag:s10] =	ssyncadd.s32 $0xFFFFFF80  }
0xa4: {  	_ =	swait.ge [sflag:s10], $0x80  }
0xa5: {  	[sflag:s10] =	ssyncset.done $0x0  }
0xa6: {  	[sflag:s10] =	ssyncadd.s32 $0xFFFFFF80  }
0xa7: {  	_ =	swait.ge [sflag:s10], $0x80  }
0xa8: {  	[sflag:s10] =	ssyncset.done $0x0  }
0xa9: {  	[sflag:s10] =	ssyncadd.s32 $0xFFFFFF80  }
0xaa: {  	_ =	swait.ge [sflag:s10], $0x80  }
0xab: {  	[sflag:s10] =	ssyncset.done $0x0  }
0xac: {  	[sflag:s10] =	ssyncadd.s32 $0xFFFFFF80  }
0xad: {  	_ =	swait.ge [sflag:s10], $0x80  }
0xae: {  	[sflag:s10] =	ssyncset.done $0x0  }
0xaf: {  	[sflag:s10] =	ssyncadd.s32 $0xFFFFFF80  }
0xb0: {  	_ =	swait.ge [sflag:s10], $0x80  }
0xb1: {  	s25 =	smov.u32 s20;
	s20 =	sadd.s32 $0x30D40, s20;
	[sflag:s10] =	ssyncset.done $0x0  }
0xb2: {  	p0 =	sne.s32 s20, $0x2DC6C0;
	[sflag:s10] =	ssyncadd.s32 $0xFFFFFF80  }
.Ltmp0:
0xb3: {  	_ =	swait.ge [sflag:s10], $0x80;
	(pc) =	sbr.rel @p0 .LBB2_3-.Ltmp0, $4  }
0xb4: {  	s19 =	sadd.s32 $0x800, s19;
	[sflag:s10] =	ssyncset.done $0x0  }
0xb5: {  	s21 =	sadd.s32 $0x1, s21;
	s22 =	smov.u32 s15;
	[sflag:s10] =	ssyncadd.s32 $0xFFFFFF80  }
0xb6: {  	s15 =	sadd.s32 $0x8000, s15;
	s18 =	smov.u32 s25;
	_ =	swait.ge [sflag:s10], $0x80  }
0xb7: {  	p1 =	slt.u32 s21, $0x2;
	s17 =	sadd.s32 $0x80, s17;
	[sflag:s10] =	ssyncset.done $0x0  }
0xb8: {  	s20 =	simm.s32 @!p1 $0x2;
	[sflag:s10] =	ssyncadd.s32 $0xFFFFFF80  }
0xb9: {  	[hbm4b:s22+s7] =	stream.strided.scatter [tilespmem:s16], [sflag:$0x2], $0x800, s8, s7, $0x38;
	[tilespmem:$0x1780] =	vst v63  }
0xba: {  	_ =	swait.ge @!p1 [sflag:s20], $0x800  }
0xbb: {  	s19 =	sand.u32 $0x800, s19;
	s21 =	rddreg [dreg:$0x3];
	[sflag:s20] =	ssyncset.done @!p1 $0x0  }
0xbc: {  	s16 =	sor.u32 $0x780, s19;
	[sflag:s20] =	ssyncadd.s32 @!p1 $0xFFFFF800;
	s18 =	sadd.s32 s18, s21  }
0xbd: {  	[tilespmem:s16], [sflag:$0x1] =	stream.indirect.gather [hbm4b:s18+s7], $0x1, s17, s7, $0xb8;
	[tilespmem:$0x1780] =	vst v63  }
0xbe: {  	s24 =	sadd.s32 $0x800, s19;
	s21 =	sadd.s32 $0x30D4, s18  }
0xbf: {  	[tilespmem:s24], [sflag:$0x1] =	stream.indirect.gather [hbm4b:s21+s7], $0x1, s17, s7, $0xb8;
	[tilespmem:$0x1780] =	vst v63  }
0xc0: {  	s25 =	sadd.s32 $0x880, s19;
	s26 =	sadd.s32 $0x61A8, s18  }
0xc1: {  	[tilespmem:s25], [sflag:$0x1] =	stream.indirect.gather [hbm4b:s26+s7], $0x1, s17, s7, $0xb8;
	[tilespmem:$0x1780] =	vst v63  }
0xc2: {  	s28 =	sadd.s32 $0x900, s19;
	s29 =	sadd.s32 $0x927C, s18  }
0xc3: {  	[tilespmem:s28], [sflag:$0x1] =	stream.indirect.gather [hbm4b:s29+s7], $0x1, s17, s7, $0xb8;
	[tilespmem:$0x1780] =	vst v63  }
0xc4: {  	s30 =	sadd.s32 $0x980, s19;
	s31 =	sadd.s32 $0xC350, s18  }
0xc5: {  	[tilespmem:s30], [sflag:$0x1] =	stream.indirect.gather [hbm4b:s31+s7], $0x1, s17, s7, $0xb8;
	[tilespmem:$0x1780] =	vst v63  }
0xc6: {  	s22 =	sadd.s32 $0xF424, s18;
	s21 =	sadd.s32 $0xA00, s19  }
0xc7: {  	[tilespmem:s21], [sflag:$0x1] =	stream.indirect.gather [hbm4b:s22+s7], $0x1, s17, s7, $0xb8;
	[tilespmem:$0x1780] =	vst v63  }
0xc8: {  	s23 =	sadd.s32 $0xA80, s19;
	s24 =	sadd.s32 $0x124F8, s18  }
0xc9: {  	[tilespmem:s23], [sflag:$0x1] =	stream.indirect.gather [hbm4b:s24+s7], $0x1, s17, s7, $0xb8;
	[tilespmem:$0x1780] =	vst v63  }
0xca: {  	s25 =	sadd.s32 $0xB00, s19;
	s26 =	sadd.s32 $0x155CC, s18  }
0xcb: {  	[tilespmem:s25], [sflag:$0x1] =	stream.indirect.gather [hbm4b:s26+s7], $0x1, s17, s7, $0xb8;
	[tilespmem:$0x1780] =	vst v63  }
0xcc: {  	s28 =	sadd.s32 $0xB80, s19;
	s29 =	sadd.s32 $0x186A0, s18  }
0xcd: {  	[tilespmem:s28], [sflag:$0x1] =	stream.indirect.gather [hbm4b:s29+s7], $0x1, s17, s7, $0xb8;
	[tilespmem:$0x1780] =	vst v63  }
0xce: {  	s30 =	sadd.s32 $0xC00, s19;
	s31 =	sadd.s32 $0x1B774, s18  }
0xcf: {  	[tilespmem:s30], [sflag:$0x1] =	stream.indirect.gather [hbm4b:s31+s7], $0x1, s17, s7, $0xb8;
	[tilespmem:$0x1780] =	vst v63  }
0xd0: {  	s21 =	sadd.s32 $0xC80, s19;
	s22 =	sadd.s32 $0x1E848, s18  }
0xd1: {  	[tilespmem:s21], [sflag:$0x1] =	stream.indirect.gather [hbm4b:s22+s7], $0x1, s17, s7, $0xb8;
	[tilespmem:$0x1780] =	vst v63  }
0xd2: {  	s23 =	sadd.s32 $0xD00, s19;
	s24 =	sadd.s32 $0x2191C, s18  }
0xd3: {  	[tilespmem:s23], [sflag:$0x1] =	stream.indirect.gather [hbm4b:s24+s7], $0x1, s17, s7, $0xb8;
	[tilespmem:$0x1780] =	vst v63  }
0xd4: {  	s25 =	sadd.s32 $0xD80, s19;
	s26 =	sadd.s32 $0x249F0, s18  }
0xd5: {  	[tilespmem:s25], [sflag:$0x1] =	stream.indirect.gather [hbm4b:s26+s7], $0x1, s17, s7, $0xb8;
	[tilespmem:$0x1780] =	vst v63  }
0xd6: {  	s28 =	sadd.s32 $0xE00, s19;
	s29 =	sadd.s32 $0x27AC4, s18  }
0xd7: {  	[tilespmem:s28], [sflag:$0x1] =	stream.indirect.gather [hbm4b:s29+s7], $0x1, s17, s7, $0xb8;
	[tilespmem:$0x1780] =	vst v63  }
0xd8: {  	s30 =	sadd.s32 $0xE80, s19;
	s31 =	sadd.s32 $0x2AB98, s18  }
0xd9: {  	[tilespmem:s30], [sflag:$0x1] =	stream.indirect.gather [hbm4b:s31+s7], $0x1, s17, s7, $0xb8;
	[tilespmem:$0x1780] =	vst v63  }
0xda: {  	s19 =	sadd.s32 $0xF00, s19;
	s18 =	sadd.s32 $0x2DC6C, s18  }
0xdb: {  	[tilespmem:s19], [sflag:$0x1] =	stream.indirect.gather [hbm4b:s18+s7], $0x1, s17, s7, $0xb8;
	[tilespmem:$0x1780] =	vst v63  }
0xdc: {  	_ =	swait.ge [sflag:s10], $0x80  }
0xdd: {  	[sflag:s10] =	ssyncset.done $0x0  }
0xde: {  	[sflag:s10] =	ssyncadd.s32 $0xFFFFFF80  }
0xdf: {  	_ =	swait.ge [sflag:s10], $0x80  }
0xe0: {  	[sflag:s10] =	ssyncset.done $0x0  }
0xe1: {  	[sflag:s10] =	ssyncadd.s32 $0xFFFFFF80  }
0xe2: {  	_ =	swait.ge [sflag:s10], $0x80  }
0xe3: {  	[sflag:s10] =	ssyncset.done $0x0  }
0xe4: {  	[sflag:s10] =	ssyncadd.s32 $0xFFFFFF80  }
0xe5: {  	_ =	swait.ge [sflag:s10], $0x80  }
0xe6: {  	[sflag:s10] =	ssyncset.done $0x0  }
0xe7: {  	[sflag:s10] =	ssyncadd.s32 $0xFFFFFF80  }
0xe8: {  	_ =	swait.ge [sflag:s10], $0x80  }
0xe9: {  	[sflag:s10] =	ssyncset.done $0x0  }
0xea: {  	[sflag:s10] =	ssyncadd.s32 $0xFFFFFF80  }
0xeb: {  	_ =	swait.ge [sflag:s10], $0x80  }
0xec: {  	[sflag:s10] =	ssyncset.done $0x0  }
0xed: {  	[sflag:s10] =	ssyncadd.s32 $0xFFFFFF80  }
0xee: {  	_ =	swait.ge [sflag:s10], $0x80  }
0xef: {  	[sflag:s10] =	ssyncset.done $0x0  }
0xf0: {  	[sflag:s10] =	ssyncadd.s32 $0xFFFFFF80  }
0xf1: {  	_ =	swait.ge [sflag:s10], $0x80  }
0xf2: {  	[sflag:s10] =	ssyncset.done $0x0  }
0xf3: {  	[sflag:s10] =	ssyncadd.s32 $0xFFFFFF80  }
0xf4: {  	_ =	swait.ge [sflag:s10], $0x80  }
0xf5: {  	[sflag:s10] =	ssyncset.done $0x0  }
0xf6: {  	[sflag:s10] =	ssyncadd.s32 $0xFFFFFF80  }
0xf7: {  	_ =	swait.ge [sflag:s10], $0x80  }
0xf8: {  	[sflag:s10] =	ssyncset.done $0x0  }
0xf9: {  	[sflag:s10] =	ssyncadd.s32 $0xFFFFFF80  }
0xfa: {  	_ =	swait.ge [sflag:s10], $0x80  }
0xfb: {  	[sflag:s10] =	ssyncset.done $0x0  }
0xfc: {  	[sflag:s10] =	ssyncadd.s32 $0xFFFFFF80  }
0xfd: {  	_ =	swait.ge [sflag:s10], $0x80  }
0xfe: {  	[sflag:s10] =	ssyncset.done $0x0  }
0xff: {  	[sflag:s10] =	ssyncadd.s32 $0xFFFFFF80  }
0x100: {  	_ =	swait.ge [sflag:s10], $0x80  }
0x101: {  	[sflag:s10] =	ssyncset.done $0x0  }
0x102: {  	[sflag:s10] =	ssyncadd.s32 $0xFFFFFF80  }
0x103: {  	_ =	swait.ge [sflag:s10], $0x80  }
0x104: {  	[sflag:s10] =	ssyncset.done $0x0  }
0x105: {  	[sflag:s10] =	ssyncadd.s32 $0xFFFFFF80  }
0x106: {  	s14 =	sadd.s32 $0x1, s14;
	_ =	swait.ge [sflag:s10], $0x80  }
0x107: {  	p0 =	sne.s32 s14, $0x4;
	[sflag:s10] =	ssyncset.done $0x0  }
.Ltmp1:
0x108: {  	[sflag:s10] =	ssyncadd.s32 $0xFFFFFF80;
	(pc) =	sbr.rel @p0 .LBB2_2-.Ltmp1, $4  }
0x109: {  	_ =	swait.ge [sflag:s10], $0x80  }
0x10a: {  	[sflag:s10] =	ssyncset.done $0x0  }
0x10b: {  	s13 =	sadd.s32 $0x10, s13;
	s12 =	sadd.s32 $0xF, s12;
	[sflag:s10] =	ssyncadd.s32 $0xFFFFFF80  }
0x10c: {  	[hbm4b:s15+s7] =	stream.strided.scatter [tilespmem:s16], [sflag:$0x2], $0x800, s8, s7, $0x38;
	[tilespmem:$0x1780] =	vst v63  }
0x10d: {  	s1 =	sadd.s32 $0x1, s1  }
0x10e: {  	_ =	swait.ge [sflag:s11], $0x800;
	p0 =	sne.s32 s1, s5  }
.Ltmp2:
0x10f: {  	[sflag:s11] =	ssyncset.done $0x0;
	(pc) =	sbr.rel @p0 .LBB2_1-.Ltmp2, $4  }
0x110: {  	[sflag:s11] =	ssyncadd.s32 $0xFFFFF800  }
0x111: {  	_ =	swait.ge [sflag:s11], $0x800  }
0x112: {  	[sflag:s11] =	ssyncset.done $0x0  }
0x113: {  	[sflag:s11] =	ssyncadd.s32 $0xFFFFF800  }
0x114: {  	_ =	sfence.sel $0x180000  }
0x115: {  	[bflag:$0x0] =	sbarrier.arrive $0xFFFF  }
0x116: {  	p0 =	sne.s32 s2, $0x0;
	_ =	strace $0x90000047  }
0x117: {  	s0 =	sadd.s32 @!p0 $0x100000, s0;
	[bflag:$0x2] =	sbarrier.arrive $0xFFFF  }
0x118: {  	[sflag:s0] =	ssyncadd.tile.s32 @!p0 $0x1;
	_ =	shalt  }
.Lfunc_end2:
_tile_overlayer_lowered:
.L_overlay_start_2:
0x119: {  	(tag) =	ssettag $0x2  }
0x11a: {  	s0 =	rddreg [dreg:$0x0];
	s2 =	stileid.u32  }
0x11b: {  	s1 =	rddreg [dreg:$0x1];
	p0 =	sne.s32 s2, $0x0  }
0x11c: {  	s3 =	rddreg [dreg:$0x2];
	[bflag:$0x3] =	sbarrier.arrive $0xFFFF;
	s2 =	simm.s32 @!p0 $0x1C03  }
0x11d: {  	[timem:s3], [sflag:s2] =	dma.local @!p0 [hbm:s0], s1  }
0x11e: {  	s0 =	simm.s32 @!p0 $0x3  }
0x11f: {  	_ =	swait.ge @!p0 [sflag:s0], s1  }
0x120: {  	s1 =	ssub.s32 @!p0 $0x0, s1;
	[sflag:s0] =	ssyncset.done @!p0 $0x0  }
0x121: {  	[sflag:s0] =	ssyncadd.s32 @!p0 s1  }
0x122: {  	[bflag:$0x3] =	sbarrier.arrive $0xFFFF  }
0x123: {  	_ =	shalt  }

</sc_bundles>
